<compile_context>
chip_gen: v7x
topology: tpu7x:2x2x1
jax: 0.10.2.dev20260603
libtpu: 0.0.44.dev20260713+nightly
codegen_flags: <defaults>
</compile_context>

<pallas_src>
import jax
import jax.numpy as jnp
from jax import lax
from jax.experimental import pallas as pl
from jax.experimental.pallas import tpu as pltpu
from jax.experimental.pallas import tpu_sc as plsc

D_VOCAB = 100000
N_ROWS = 1024
N_TOK = 2 * N_ROWS
CH = 16
CH_LOG = 4
NCHUNK = D_VOCAB // CH
NC = 2
NS = 16
L = 16
NW = NC * NS
QFULL = NCHUNK // NW
NEXTRA = NCHUNK - QFULL * NW
LISTCAP = N_ROWS + L
RING = 6


def _body(x_hbm, out_hbm, idx_v, cidA, addrA, cidB, addrB, buf, sem):
    wid = lax.axis_index("s") * NC + lax.axis_index("c")

    pltpu.sync_copy(x_hbm, idx_v)

    zeros16 = jnp.zeros((L,), jnp.float32)
    ones16 = jnp.ones((L,), jnp.float32)
    iota16 = lax.iota(jnp.int32, L)
    even16 = (iota16 & 1) == 0
    half16 = iota16 >> 1

    def _scan(q, carry):
        ca, cb = carry
        tvec = idx_v[pl.ds(q * L, L)]
        cid = tvec >> CH_LOG
        mine = (cid & (NW - 1)) == wid
        bvec = q * 8 + half16
        addr = ((tvec & (CH - 1)) << 10) | bvec
        mA = mine & even16
        mB = mine & jnp.logical_not(even16)
        plsc.store_compressed(cidA.at[pl.ds(ca, L)], cid, mask=mA)
        plsc.store_compressed(addrA.at[pl.ds(ca, L)], addr, mask=mA)
        plsc.store_compressed(cidB.at[pl.ds(cb, L)], cid, mask=mB)
        plsc.store_compressed(addrB.at[pl.ds(cb, L)], addr, mask=mB)
        ca = ca + jnp.sum(mA.astype(jnp.int32))
        cb = cb + jnp.sum(mB.astype(jnp.int32))
        return ca, cb

    cntA, cntB = lax.fori_loop(0, N_TOK // L, _scan, (jnp.int32(0),
                                                      jnp.int32(0)))
    nvA = (cntA + L - 1) >> 4
    nvB = (cntB + L - 1) >> 4

    def _pass(j, row_off, value):
        def _one(cid_ref, addr_ref, cnt, nv, lane_sel):
            def _vec(i, carry):
                cv = cid_ref[pl.ds(i * L, L)]
                av = addr_ref[pl.ds(i * L, L)]
                valid = (i * L + iota16) < cnt
                m = (cv == j) & valid & lane_sel
                rows = row_off + (av >> 10)
                cols = av & (N_ROWS - 1)
                if value == 0.0:
                    plsc.store_scatter(buf, [rows, cols], zeros16, mask=m)
                else:
                    plsc.addupdate_scatter(buf, [rows, cols], ones16,
                                           mask=m)
                return carry

            lax.fori_loop(0, nv, _vec, 0)

        true16 = iota16 >= 0
        _one(cidA, addrA, cntA, nvA, true16)
        _one(cidB, addrB, cntB, nvB, true16)

    def _chunk(jj, carry):
        j = wid + NW * jj
        h = (jj - (jj // RING) * RING) * CH

        @pl.when(jj < RING)
        def _():
            def _zrow(i, carry):
                for k in range(N_ROWS // L):
                    buf[i, pl.ds(k * L, L)] = zeros16
                return carry

            lax.fori_loop(h, h + CH, _zrow, 0)

        @pl.when(jj >= RING)
        def _():
            pltpu.make_async_copy(
                buf.at[pl.ds(h, CH)], out_hbm.at[pl.ds(0, CH)], sem).wait()
            _pass(j - RING * NW, h, 0.0)

        _pass(j, h, 1.0)
        pltpu.async_copy(
            buf.at[pl.ds(h, CH)], out_hbm.at[pl.ds(j * CH, CH)], sem)
        return carry

    lax.fori_loop(0, QFULL, _chunk, 0)

    for _ in range(RING):
        pltpu.make_async_copy(
            buf.at[pl.ds(0, CH)], out_hbm.at[pl.ds(0, CH)], sem).wait()

    @pl.when(wid < NEXTRA)
    def _():
        j = QFULL * NW + wid
        h = (QFULL % RING) * CH
        _pass(wid + NW * (QFULL - RING), h, 0.0)
        _pass(j, h, 1.0)
        pltpu.sync_copy(buf.at[pl.ds(h, CH)],
                        out_hbm.at[pl.ds(j * CH, CH)])


@jax.jit
def _embed(x_flat):
    mesh = plsc.VectorSubcoreMesh(
        core_axis_name="c", subcore_axis_name="s", num_cores=NC,
        num_subcores=NS)
    f = pl.kernel(
        _body,
        out_type=jax.ShapeDtypeStruct((D_VOCAB, N_ROWS), jnp.float32),
        mesh=mesh,
        scratch_types=[
            pltpu.VMEM((N_TOK,), jnp.int32),
            pltpu.VMEM((LISTCAP,), jnp.int32),
            pltpu.VMEM((LISTCAP,), jnp.int32),
            pltpu.VMEM((LISTCAP,), jnp.int32),
            pltpu.VMEM((LISTCAP,), jnp.int32),
            pltpu.VMEM((RING * CH, N_ROWS), jnp.float32),
            pltpu.SemaphoreType.DMA,
        ],
        compiler_params=pltpu.CompilerParams(needs_layout_passes=False),
    )
    return f(x_flat)


def kernel(x, W_E):
    del W_E
    out_t = _embed(x.reshape(-1).astype(jnp.int32))
    return out_t.T[:, None, :]

# --- scband reference (transcript-rebuilt; emitter-appended) ---
"""Pipeline reference for scband-embed-30416958390799 (READ-ONLY COPY).

The authoritative reference and input builder live on the scoring server;
editing this copy changes nothing except your own understanding.
"""

import jax, jax.numpy as jnp
import numpy as np

D_VOCAB = 100000
D_MODEL = 128


def setup_inputs(seed: int = 0) -> dict:
    key = jax.random.key(seed)
    kx, kw = jax.random.split(key)
    x = jax.random.randint(kx, (1024, 2), 0, D_VOCAB, dtype=jnp.int64 if jax.config.read('jax_enable_x64') else jnp.int32)
    W_E = jax.random.normal(kw, (D_MODEL, D_VOCAB), dtype=jnp.float32) / np.sqrt(D_MODEL)
    return {"x": x, "W_E": W_E}


def reference(x, W_E):
    # Faithful translation of Embed.forward:
    # one-hot encode each of the 2 token positions, sum over positions, unsqueeze dim 1.
    # Note: W_E is a learned parameter of the module but is unused in forward,
    # exactly as in the original torch code.
    embed = jax.nn.one_hot(x, D_VOCAB, dtype=jnp.float32).sum(axis=1)[:, None, :]
    return embed

if __name__ == "__main__":
    import jax
    _d = setup_inputs()
    print(jax.jit(kernel)(*tuple(_d.values())))

</pallas_src>

<mosaic_0001>
#map = affine_map<(d0, d1) -> (0)>
#map1 = affine_map<(d0, d1) -> (0, 0)>
module attributes {stable_mosaic.version = 14 : i64} {
  func.func @_body(%arg0: i32, %arg1: i32, %arg2: memref<2048xi32, #tpu.memory_space<hbm>>, %arg3: memref<100000x1024xf32, #tpu.memory_space<hbm>>, %arg4: memref<2048xi32, #tpu.memory_space<vmem>>, %arg5: memref<1040xi32, #tpu.memory_space<vmem>>, %arg6: memref<1040xi32, #tpu.memory_space<vmem>>, %arg7: memref<1040xi32, #tpu.memory_space<vmem>>, %arg8: memref<1040xi32, #tpu.memory_space<vmem>>, %arg9: memref<96x1024xf32, #tpu.memory_space<vmem>>, %arg10: memref<!tpu.dma_semaphore, #tpu.memory_space<semaphore_mem>>) attributes {dimension_semantics = [#tpu.dimension_semantics<core_parallel>, #tpu.dimension_semantics<subcore_parallel>], iteration_bounds = array<i64: 2, 16>, scalar_prefetch = 0 : i64, scratch_operands = 7 : i64, tpu.core_type = #tpu.core_type<sc_vector_subcore>, window_params = [{transform_indices = #map}, {transform_indices = #map1}]} {
    %mul3A = arith.constant 2 : i32
    %mul3A_0 = arith.muli %arg1, %mul3A : i32
    %add3A = arith.addi %mul3A_0, %arg0 : i32
    "tpu.region"() ({
      %run_scoped3A = tpu.sem_alloc : memref<!tpu.dma_semaphore, #tpu.memory_space<semaphore_mem>>
      tpu.enqueue_dma source(%arg2 : memref<2048xi32, #tpu.memory_space<hbm>>) target(%arg4 : memref<2048xi32, #tpu.memory_space<vmem>>) target_semaphore(%run_scoped3A : memref<!tpu.dma_semaphore, #tpu.memory_space<semaphore_mem>>)
      tpu.wait_dma2 semaphore(%run_scoped3A : memref<!tpu.dma_semaphore, #tpu.memory_space<semaphore_mem>>) src(%arg2 : memref<2048xi32, #tpu.memory_space<hbm>>) dst(%arg4 : memref<2048xi32, #tpu.memory_space<vmem>>)
      tpu.yield
    }) : () -> ()
    %broadcast_in_dim3A = arith.constant 0.000000e+00 : f32
    %broadcast_in_dim3A_1 = vector.broadcast %broadcast_in_dim3A : f32 to vector<16xf32>
    %broadcast_in_dim3A_2 = arith.constant 1.000000e+00 : f32
    %broadcast_in_dim3A_3 = vector.broadcast %broadcast_in_dim3A_2 : f32 to vector<16xf32>
    %iota3A = tpu.iota {dimensions = array<i32: 0>} : vector<16xi32>
    %and3A = arith.constant 1 : i32
    %and3A_4 = vector.broadcast %and3A : i32 to vector<16xi32>
    %and3A_5 = arith.andi %iota3A, %and3A_4 : vector<16xi32>
    %eq3A = arith.constant 0 : i32
    %eq3A_6 = vector.broadcast %eq3A : i32 to vector<16xi32>
    %eq3A_7 = arith.cmpi eq, %and3A_5, %eq3A_6 : vector<16xi32>
    %shift_right_arithmetic3A = arith.constant 1 : i32
    %shift_right_arithmetic3A_8 = vector.broadcast %shift_right_arithmetic3A : i32 to vector<16xi32>
    %shift_right_arithmetic3A_9 = arith.shrsi %iota3A, %shift_right_arithmetic3A_8 : vector<16xi32>
    %scan3A = arith.constant 0 : i32
    %scan3A_10 = arith.constant 0 : i32
    %scan3A_11 = arith.constant 0 : i32
    %scan3A_12 = arith.constant 128 : i32
    %scan3A_13 = arith.addi %scan3A_11, %scan3A_12 : i32
    %scan3A_14 = arith.constant 1 : i32
    %scan3A_15:2 = scf.for %scan3A_107 = %scan3A_11 to %scan3A_13 step %scan3A_14 iter_args(%scan3A_108 = %scan3A, %scan3A_109 = %scan3A_10) -> (i32, i32)  : i32 {
      %mul3A_110 = arith.constant 16 : i32
      %mul3A_111 = arith.muli %scan3A_107, %mul3A_110 : i32
      %get3A = arith.index_cast %mul3A_111 : i32 to index
      %get3A_112 = tpu.vector_load %arg4[%get3A] {strides = array<i32>} : memref<2048xi32, #tpu.memory_space<vmem>>, vector<16xi32>,
      %shift_right_arithmetic3A_113 = arith.constant 4 : i32
      %shift_right_arithmetic3A_114 = vector.broadcast %shift_right_arithmetic3A_113 : i32 to vector<16xi32>
      %shift_right_arithmetic3A_115 = arith.shrsi %get3A_112, %shift_right_arithmetic3A_114 : vector<16xi32>
      %and3A_116 = arith.constant 31 : i32
      %and3A_117 = vector.broadcast %and3A_116 : i32 to vector<16xi32>
      %and3A_118 = arith.andi %shift_right_arithmetic3A_115, %and3A_117 : vector<16xi32>
      %eq3A_119 = vector.broadcast %add3A : i32 to vector<16xi32>
      %eq3A_120 = arith.cmpi eq, %and3A_118, %eq3A_119 : vector<16xi32>
      %mul3A_121 = arith.constant 8 : i32
      %mul3A_122 = arith.muli %scan3A_107, %mul3A_121 : i32
      %add3A_123 = vector.broadcast %mul3A_122 : i32 to vector<16xi32>
      %add3A_124 = arith.addi %add3A_123, %shift_right_arithmetic3A_9 : vector<16xi32>
      %and3A_125 = arith.constant 15 : i32
      %and3A_126 = vector.broadcast %and3A_125 : i32 to vector<16xi32>
      %and3A_127 = arith.andi %get3A_112, %and3A_126 : vector<16xi32>
      %shift_left3A = arith.constant 10 : i32
      %shift_left3A_128 = vector.broadcast %shift_left3A : i32 to vector<16xi32>
      %shift_left3A_129 = arith.shli %and3A_127, %shift_left3A_128 : vector<16xi32>
      %or3A = arith.ori %shift_left3A_129, %add3A_124 : vector<16xi32>
      %and3A_130 = arith.andi %eq3A_120, %eq3A_7 : vector<16xi1>
      %not3A = arith.constant dense<true> : vector<16xi1>
      %not3A_131 = arith.xori %eq3A_7, %not3A : vector<16xi1>
      %and3A_132 = arith.andi %eq3A_120, %not3A_131 : vector<16xi1>
      %swap3A = arith.index_cast %scan3A_108 : i32 to index
      %swap3A_133 = tpu.vector_load %arg5[%swap3A] masked %and3A_130 {strides = array<i32>} : memref<1040xi32, #tpu.memory_space<vmem>>, vector<16xi32>, vector<16xi1>
      tpu.vector_store %arg5[%swap3A], %shift_right_arithmetic3A_115 masked %and3A_130 {strides = array<i32>} : memref<1040xi32, #tpu.memory_space<vmem>>, vector<16xi32>, vector<16xi1>
      %swap3A_134 = arith.index_cast %scan3A_108 : i32 to index
      %swap3A_135 = tpu.vector_load %arg6[%swap3A_134] masked %and3A_130 {strides = array<i32>} : memref<1040xi32, #tpu.memory_space<vmem>>, vector<16xi32>, vector<16xi1>
      tpu.vector_store %arg6[%swap3A_134], %or3A masked %and3A_130 {strides = array<i32>} : memref<1040xi32, #tpu.memory_space<vmem>>, vector<16xi32>, vector<16xi1>
      %swap3A_136 = arith.index_cast %scan3A_109 : i32 to index
      %swap3A_137 = tpu.vector_load %arg7[%swap3A_136] masked %and3A_132 {strides = array<i32>} : memref<1040xi32, #tpu.memory_space<vmem>>, vector<16xi32>, vector<16xi1>
      tpu.vector_store %arg7[%swap3A_136], %shift_right_arithmetic3A_115 masked %and3A_132 {strides = array<i32>} : memref<1040xi32, #tpu.memory_space<vmem>>, vector<16xi32>, vector<16xi1>
      %swap3A_138 = arith.index_cast %scan3A_109 : i32 to index
      %swap3A_139 = tpu.vector_load %arg8[%swap3A_138] masked %and3A_132 {strides = array<i32>} : memref<1040xi32, #tpu.memory_space<vmem>>, vector<16xi32>, vector<16xi1>
      tpu.vector_store %arg8[%swap3A_138], %or3A masked %and3A_132 {strides = array<i32>} : memref<1040xi32, #tpu.memory_space<vmem>>, vector<16xi32>, vector<16xi1>
      %convert_element_type3A_140 = arith.extui %and3A_130 : vector<16xi1> to vector<16xi32>
      %reduce_sum3A = arith.constant true
      %reduce_sum3A_141 = vector.broadcast %reduce_sum3A : i1 to vector<16xi1>
      %reduce_sum3A_142 = tpu.scan <sum>, %convert_element_type3A_140 masked %reduce_sum3A_141 : vector<16xi32>, vector<16xi1> -> vector<16xi32>
      %reduce_sum3A_143 = vector.extract %reduce_sum3A_142[15] : i32 from vector<16xi32>
      %add3A_144 = arith.addi %scan3A_108, %reduce_sum3A_143 : i32
      %convert_element_type3A_145 = arith.extui %and3A_132 : vector<16xi1> to vector<16xi32>
      %reduce_sum3A_146 = arith.constant true
      %reduce_sum3A_147 = vector.broadcast %reduce_sum3A_146 : i1 to vector<16xi1>
      %reduce_sum3A_148 = tpu.scan <sum>, %convert_element_type3A_145 masked %reduce_sum3A_147 : vector<16xi32>, vector<16xi1> -> vector<16xi32>
      %reduce_sum3A_149 = vector.extract %reduce_sum3A_148[15] : i32 from vector<16xi32>
      %add3A_150 = arith.addi %scan3A_109, %reduce_sum3A_149 : i32
      scf.yield %add3A_144, %add3A_150 : i32, i32
    }
    %scan3A_16 = arith.constant 128 : i32
    %add3A_17 = arith.constant 16 : i32
    %add3A_18 = arith.addi %scan3A_15#0, %add3A_17 : i32
    %sub3A = arith.constant 1 : i32
    %sub3A_19 = arith.subi %add3A_18, %sub3A : i32
    %shift_right_arithmetic3A_20 = arith.constant 4 : i32
    %shift_right_arithmetic3A_21 = arith.shrsi %sub3A_19, %shift_right_arithmetic3A_20 : i32
    %add3A_22 = arith.constant 16 : i32
    %add3A_23 = arith.addi %scan3A_15#1, %add3A_22 : i32
    %sub3A_24 = arith.constant 1 : i32
    %sub3A_25 = arith.subi %add3A_23, %sub3A_24 : i32
    %shift_right_arithmetic3A_26 = arith.constant 4 : i32
    %shift_right_arithmetic3A_27 = arith.shrsi %sub3A_25, %shift_right_arithmetic3A_26 : i32
    %scan3A_28 = arith.constant 0 : i32
    %scan3A_29 = arith.constant 0 : i32
    %scan3A_30 = arith.constant 195 : i32
    %scan3A_31 = arith.addi %scan3A_29, %scan3A_30 : i32
    %scan3A_32 = arith.constant 1 : i32
    scf.for %scan3A_107 = %scan3A_29 to %scan3A_31 step %scan3A_32  : i32 {
      %mul3A_108 = arith.constant 32 : i32
      %mul3A_109 = arith.muli %mul3A_108, %scan3A_107 : i32
      %add3A_110 = arith.addi %add3A, %mul3A_109 : i32
      %jit3A = arith.constant 6 : i32
      %div3A = arith.divsi %scan3A_107, %jit3A : i32
      %sign3A = arith.constant 0 : i32
      %sign3A_111 = arith.cmpi sgt, %scan3A_107, %sign3A : i32
      %sign3A_112 = arith.extui %sign3A_111 : i1 to i32
      %sign3A_113 = arith.constant 0 : i32
      %sign3A_114 = arith.cmpi slt, %scan3A_107, %sign3A_113 : i32
      %sign3A_115 = arith.extui %sign3A_114 : i1 to i32
      %sign3A_116 = arith.subi %sign3A_112, %sign3A_115 : i32
      %sign3A_117 = arith.constant 0 : i32
      %sign3A_118 = arith.cmpi sgt, %jit3A, %sign3A_117 : i32
      %sign3A_119 = arith.extui %sign3A_118 : i1 to i32
      %sign3A_120 = arith.constant 0 : i32
      %sign3A_121 = arith.cmpi slt, %jit3A, %sign3A_120 : i32
      %sign3A_122 = arith.extui %sign3A_121 : i1 to i32
      %sign3A_123 = arith.subi %sign3A_119, %sign3A_122 : i32
      %ne3A = arith.cmpi ne, %sign3A_116, %sign3A_123 : i32
      %rem3A = arith.remsi %scan3A_107, %jit3A : i32
      %ne3A_124 = arith.constant 0 : i32
      %ne3A_125 = arith.cmpi ne, %rem3A, %ne3A_124 : i32
      %and3A_126 = arith.andi %ne3A, %ne3A_125 : i1
      %sub3A_127 = arith.constant 1 : i32
      %sub3A_128 = arith.subi %div3A, %sub3A_127 : i32
      %select_n3A = arith.select %and3A_126, %sub3A_128, %div3A : i32
      %mul3A_129 = arith.constant 6 : i32
      %mul3A_130 = arith.muli %select_n3A, %mul3A_129 : i32
      %sub3A_131 = arith.subi %scan3A_107, %mul3A_130 : i32
      %mul3A_132 = arith.constant 16 : i32
      %mul3A_133 = arith.muli %sub3A_131, %mul3A_132 : i32
      %lt3A_134 = arith.constant 6 : i32
      %lt3A_135 = arith.cmpi slt, %scan3A_107, %lt3A_134 : i32
      %convert_element_type3A_136 = arith.extui %lt3A_135 : i1 to i32
      %cond3A_137 = arith.constant 0 : i32
      %cond3A_138 = arith.cmpi ne, %convert_element_type3A_136, %cond3A_137 : i32
      scf.if %cond3A_138 {
        %add3A_174 = arith.constant 16 : i32
        %add3A_175 = arith.addi %mul3A_133, %add3A_174 : i32
        %while3A_176 = arith.constant 0 : i32
        %while3A_177 = arith.subi %add3A_175, %mul3A_133 : i32
        %while3A_178 = arith.addi %mul3A_133, %while3A_177 : i32
        %while3A_179 = arith.constant 1 : i32
        %while3A_180 = arith.divsi %while3A_177, %while3A_179 : i32
        %while3A_181 = arith.muli %while3A_180, %while3A_179 : i32
        %while3A_182 = arith.addi %mul3A_133, %while3A_181 : i32
        %while3A_183 = arith.constant 1 : i32
        scf.for %while3A_185 = %mul3A_133 to %while3A_182 step %while3A_183  : i32 {
          %swap3A = arith.index_cast %while3A_185 : i32 to index
          %swap3A_186 = arith.constant 0 : index
          %swap3A_187 = tpu.vector_load %arg9[%swap3A, %swap3A_186] {strides = array<i32>} : memref<96x1024xf32, #tpu.memory_space<vmem>>, vector<16xf32>,
          tpu.vector_store %arg9[%swap3A, %swap3A_186], %broadcast_in_dim3A_1 {strides = array<i32>} : memref<96x1024xf32, #tpu.memory_space<vmem>>, vector<16xf32>,
          %swap3A_188 = arith.index_cast %while3A_185 : i32 to index
          %swap3A_189 = arith.constant 16 : index
          %swap3A_190 = tpu.vector_load %arg9[%swap3A_188, %swap3A_189] {strides = array<i32>} : memref<96x1024xf32, #tpu.memory_space<vmem>>, vector<16xf32>,
          tpu.vector_store %arg9[%swap3A_188, %swap3A_189], %broadcast_in_dim3A_1 {strides = array<i32>} : memref<96x1024xf32, #tpu.memory_space<vmem>>, vector<16xf32>,
          %swap3A_191 = arith.index_cast %while3A_185 : i32 to index
          %swap3A_192 = arith.constant 32 : index
          %swap3A_193 = tpu.vector_load %arg9[%swap3A_191, %swap3A_192] {strides = array<i32>} : memref<96x1024xf32, #tpu.memory_space<vmem>>, vector<16xf32>,
          tpu.vector_store %arg9[%swap3A_191, %swap3A_192], %broadcast_in_dim3A_1 {strides = array<i32>} : memref<96x1024xf32, #tpu.memory_space<vmem>>, vector<16xf32>,
          %swap3A_194 = arith.index_cast %while3A_185 : i32 to index
          %swap3A_195 = arith.constant 48 : index
          %swap3A_196 = tpu.vector_load %arg9[%swap3A_194, %swap3A_195] {strides = array<i32>} : memref<96x1024xf32, #tpu.memory_space<vmem>>, vector<16xf32>,
          tpu.vector_store %arg9[%swap3A_194, %swap3A_195], %broadcast_in_dim3A_1 {strides = array<i32>} : memref<96x1024xf32, #tpu.memory_space<vmem>>, vector<16xf32>,
          %swap3A_197 = arith.index_cast %while3A_185 : i32 to index
          %swap3A_198 = arith.constant 64 : index
          %swap3A_199 = tpu.vector_load %arg9[%swap3A_197, %swap3A_198] {strides = array<i32>} : memref<96x1024xf32, #tpu.memory_space<vmem>>, vector<16xf32>,
          tpu.vector_store %arg9[%swap3A_197, %swap3A_198], %broadcast_in_dim3A_1 {strides = array<i32>} : memref<96x1024xf32, #tpu.memory_space<vmem>>, vector<16xf32>,
          %swap3A_200 = arith.index_cast %while3A_185 : i32 to index
          %swap3A_201 = arith.constant 80 : index
          %swap3A_202 = tpu.vector_load %arg9[%swap3A_200, %swap3A_201] {strides = array<i32>} : memref<96x1024xf32, #tpu.memory_space<vmem>>, vector<16xf32>,
          tpu.vector_store %arg9[%swap3A_200, %swap3A_201], %broadcast_in_dim3A_1 {strides = array<i32>} : memref<96x1024xf32, #tpu.memory_space<vmem>>, vector<16xf32>,
          %swap3A_203 = arith.index_cast %while3A_185 : i32 to index
          %swap3A_204 = arith.constant 96 : index
          %swap3A_205 = tpu.vector_load %arg9[%swap3A_203, %swap3A_204] {strides = array<i32>} : memref<96x1024xf32, #tpu.memory_space<vmem>>, vector<16xf32>,
          tpu.vector_store %arg9[%swap3A_203, %swap3A_204], %broadcast_in_dim3A_1 {strides = array<i32>} : memref<96x1024xf32, #tpu.memory_space<vmem>>, vector<16xf32>,
          %swap3A_206 = arith.index_cast %while3A_185 : i32 to index
          %swap3A_207 = arith.constant 112 : index
          %swap3A_208 = tpu.vector_load %arg9[%swap3A_206, %swap3A_207] {strides = array<i32>} : memref<96x1024xf32, #tpu.memory_space<vmem>>, vector<16xf32>,
          tpu.vector_store %arg9[%swap3A_206, %swap3A_207], %broadcast_in_dim3A_1 {strides = array<i32>} : memref<96x1024xf32, #tpu.memory_space<vmem>>, vector<16xf32>,
          %swap3A_209 = arith.index_cast %while3A_185 : i32 to index
          %swap3A_210 = arith.constant 128 : index
          %swap3A_211 = tpu.vector_load %arg9[%swap3A_209, %swap3A_210] {strides = array<i32>} : memref<96x1024xf32, #tpu.memory_space<vmem>>, vector<16xf32>,
          tpu.vector_store %arg9[%swap3A_209, %swap3A_210], %broadcast_in_dim3A_1 {strides = array<i32>} : memref<96x1024xf32, #tpu.memory_space<vmem>>, vector<16xf32>,
          %swap3A_212 = arith.index_cast %while3A_185 : i32 to index
          %swap3A_213 = arith.constant 144 : index
          %swap3A_214 = tpu.vector_load %arg9[%swap3A_212, %swap3A_213] {strides = array<i32>} : memref<96x1024xf32, #tpu.memory_space<vmem>>, vector<16xf32>,
          tpu.vector_store %arg9[%swap3A_212, %swap3A_213], %broadcast_in_dim3A_1 {strides = array<i32>} : memref<96x1024xf32, #tpu.memory_space<vmem>>, vector<16xf32>,
          %swap3A_215 = arith.index_cast %while3A_185 : i32 to index
          %swap3A_216 = arith.constant 160 : index
          %swap3A_217 = tpu.vector_load %arg9[%swap3A_215, %swap3A_216] {strides = array<i32>} : memref<96x1024xf32, #tpu.memory_space<vmem>>, vector<16xf32>,
          tpu.vector_store %arg9[%swap3A_215, %swap3A_216], %broadcast_in_dim3A_1 {strides = array<i32>} : memref<96x1024xf32, #tpu.memory_space<vmem>>, vector<16xf32>,
          %swap3A_218 = arith.index_cast %while3A_185 : i32 to index
          %swap3A_219 = arith.constant 176 : index
          %swap3A_220 = tpu.vector_load %arg9[%swap3A_218, %swap3A_219] {strides = array<i32>} : memref<96x1024xf32, #tpu.memory_space<vmem>>, vector<16xf32>,
          tpu.vector_store %arg9[%swap3A_218, %swap3A_219], %broadcast_in_dim3A_1 {strides = array<i32>} : memref<96x1024xf32, #tpu.memory_space<vmem>>, vector<16xf32>,
          %swap3A_221 = arith.index_cast %while3A_185 : i32 to index
          %swap3A_222 = arith.constant 192 : index
          %swap3A_223 = tpu.vector_load %arg9[%swap3A_221, %swap3A_222] {strides = array<i32>} : memref<96x1024xf32, #tpu.memory_space<vmem>>, vector<16xf32>,
          tpu.vector_store %arg9[%swap3A_221, %swap3A_222], %broadcast_in_dim3A_1 {strides = array<i32>} : memref<96x1024xf32, #tpu.memory_space<vmem>>, vector<16xf32>,
          %swap3A_224 = arith.index_cast %while3A_185 : i32 to index
          %swap3A_225 = arith.constant 208 : index
          %swap3A_226 = tpu.vector_load %arg9[%swap3A_224, %swap3A_225] {strides = array<i32>} : memref<96x1024xf32, #tpu.memory_space<vmem>>, vector<16xf32>,
          tpu.vector_store %arg9[%swap3A_224, %swap3A_225], %broadcast_in_dim3A_1 {strides = array<i32>} : memref<96x1024xf32, #tpu.memory_space<vmem>>, vector<16xf32>,
          %swap3A_227 = arith.index_cast %while3A_185 : i32 to index
          %swap3A_228 = arith.constant 224 : index
          %swap3A_229 = tpu.vector_load %arg9[%swap3A_227, %swap3A_228] {strides = array<i32>} : memref<96x1024xf32, #tpu.memory_space<vmem>>, vector<16xf32>,
          tpu.vector_store %arg9[%swap3A_227, %swap3A_228], %broadcast_in_dim3A_1 {strides = array<i32>} : memref<96x1024xf32, #tpu.memory_space<vmem>>, vector<16xf32>,
          %swap3A_230 = arith.index_cast %while3A_185 : i32 to index
          %swap3A_231 = arith.constant 240 : index
          %swap3A_232 = tpu.vector_load %arg9[%swap3A_230, %swap3A_231] {strides = array<i32>} : memref<96x1024xf32, #tpu.memory_space<vmem>>, vector<16xf32>,
          tpu.vector_store %arg9[%swap3A_230, %swap3A_231], %broadcast_in_dim3A_1 {strides = array<i32>} : memref<96x1024xf32, #tpu.memory_space<vmem>>, vector<16xf32>,
          %swap3A_233 = arith.index_cast %while3A_185 : i32 to index
          %swap3A_234 = arith.constant 256 : index
          %swap3A_235 = tpu.vector_load %arg9[%swap3A_233, %swap3A_234] {strides = array<i32>} : memref<96x1024xf32, #tpu.memory_space<vmem>>, vector<16xf32>,
          tpu.vector_store %arg9[%swap3A_233, %swap3A_234], %broadcast_in_dim3A_1 {strides = array<i32>} : memref<96x1024xf32, #tpu.memory_space<vmem>>, vector<16xf32>,
          %swap3A_236 = arith.index_cast %while3A_185 : i32 to index
          %swap3A_237 = arith.constant 272 : index
          %swap3A_238 = tpu.vector_load %arg9[%swap3A_236, %swap3A_237] {strides = array<i32>} : memref<96x1024xf32, #tpu.memory_space<vmem>>, vector<16xf32>,
          tpu.vector_store %arg9[%swap3A_236, %swap3A_237], %broadcast_in_dim3A_1 {strides = array<i32>} : memref<96x1024xf32, #tpu.memory_space<vmem>>, vector<16xf32>,
          %swap3A_239 = arith.index_cast %while3A_185 : i32 to index
          %swap3A_240 = arith.constant 288 : index
          %swap3A_241 = tpu.vector_load %arg9[%swap3A_239, %swap3A_240] {strides = array<i32>} : memref<96x1024xf32, #tpu.memory_space<vmem>>, vector<16xf32>,
          tpu.vector_store %arg9[%swap3A_239, %swap3A_240], %broadcast_in_dim3A_1 {strides = array<i32>} : memref<96x1024xf32, #tpu.memory_space<vmem>>, vector<16xf32>,
          %swap3A_242 = arith.index_cast %while3A_185 : i32 to index
          %swap3A_243 = arith.constant 304 : index
          %swap3A_244 = tpu.vector_load %arg9[%swap3A_242, %swap3A_243] {strides = array<i32>} : memref<96x1024xf32, #tpu.memory_space<vmem>>, vector<16xf32>,
          tpu.vector_store %arg9[%swap3A_242, %swap3A_243], %broadcast_in_dim3A_1 {strides = array<i32>} : memref<96x1024xf32, #tpu.memory_space<vmem>>, vector<16xf32>,
          %swap3A_245 = arith.index_cast %while3A_185 : i32 to index
          %swap3A_246 = arith.constant 320 : index
          %swap3A_247 = tpu.vector_load %arg9[%swap3A_245, %swap3A_246] {strides = array<i32>} : memref<96x1024xf32, #tpu.memory_space<vmem>>, vector<16xf32>,
          tpu.vector_store %arg9[%swap3A_245, %swap3A_246], %broadcast_in_dim3A_1 {strides = array<i32>} : memref<96x1024xf32, #tpu.memory_space<vmem>>, vector<16xf32>,
          %swap3A_248 = arith.index_cast %while3A_185 : i32 to index
          %swap3A_249 = arith.constant 336 : index
          %swap3A_250 = tpu.vector_load %arg9[%swap3A_248, %swap3A_249] {strides = array<i32>} : memref<96x1024xf32, #tpu.memory_space<vmem>>, vector<16xf32>,
          tpu.vector_store %arg9[%swap3A_248, %swap3A_249], %broadcast_in_dim3A_1 {strides = array<i32>} : memref<96x1024xf32, #tpu.memory_space<vmem>>, vector<16xf32>,
          %swap3A_251 = arith.index_cast %while3A_185 : i32 to index
          %swap3A_252 = arith.constant 352 : index
          %swap3A_253 = tpu.vector_load %arg9[%swap3A_251, %swap3A_252] {strides = array<i32>} : memref<96x1024xf32, #tpu.memory_space<vmem>>, vector<16xf32>,
          tpu.vector_store %arg9[%swap3A_251, %swap3A_252], %broadcast_in_dim3A_1 {strides = array<i32>} : memref<96x1024xf32, #tpu.memory_space<vmem>>, vector<16xf32>,
          %swap3A_254 = arith.index_cast %while3A_185 : i32 to index
          %swap3A_255 = arith.constant 368 : index
          %swap3A_256 = tpu.vector_load %arg9[%swap3A_254, %swap3A_255] {strides = array<i32>} : memref<96x1024xf32, #tpu.memory_space<vmem>>, vector<16xf32>,
          tpu.vector_store %arg9[%swap3A_254, %swap3A_255], %broadcast_in_dim3A_1 {strides = array<i32>} : memref<96x1024xf32, #tpu.memory_space<vmem>>, vector<16xf32>,
          %swap3A_257 = arith.index_cast %while3A_185 : i32 to index
          %swap3A_258 = arith.constant 384 : index
          %swap3A_259 = tpu.vector_load %arg9[%swap3A_257, %swap3A_258] {strides = array<i32>} : memref<96x1024xf32, #tpu.memory_space<vmem>>, vector<16xf32>,
          tpu.vector_store %arg9[%swap3A_257, %swap3A_258], %broadcast_in_dim3A_1 {strides = array<i32>} : memref<96x1024xf32, #tpu.memory_space<vmem>>, vector<16xf32>,
          %swap3A_260 = arith.index_cast %while3A_185 : i32 to index
          %swap3A_261 = arith.constant 400 : index
          %swap3A_262 = tpu.vector_load %arg9[%swap3A_260, %swap3A_261] {strides = array<i32>} : memref<96x1024xf32, #tpu.memory_space<vmem>>, vector<16xf32>,
          tpu.vector_store %arg9[%swap3A_260, %swap3A_261], %broadcast_in_dim3A_1 {strides = array<i32>} : memref<96x1024xf32, #tpu.memory_space<vmem>>, vector<16xf32>,
          %swap3A_263 = arith.index_cast %while3A_185 : i32 to index
          %swap3A_264 = arith.constant 416 : index
          %swap3A_265 = tpu.vector_load %arg9[%swap3A_263, %swap3A_264] {strides = array<i32>} : memref<96x1024xf32, #tpu.memory_space<vmem>>, vector<16xf32>,
          tpu.vector_store %arg9[%swap3A_263, %swap3A_264], %broadcast_in_dim3A_1 {strides = array<i32>} : memref<96x1024xf32, #tpu.memory_space<vmem>>, vector<16xf32>,
          %swap3A_266 = arith.index_cast %while3A_185 : i32 to index
          %swap3A_267 = arith.constant 432 : index
          %swap3A_268 = tpu.vector_load %arg9[%swap3A_266, %swap3A_267] {strides = array<i32>} : memref<96x1024xf32, #tpu.memory_space<vmem>>, vector<16xf32>,
          tpu.vector_store %arg9[%swap3A_266, %swap3A_267], %broadcast_in_dim3A_1 {strides = array<i32>} : memref<96x1024xf32, #tpu.memory_space<vmem>>, vector<16xf32>,
          %swap3A_269 = arith.index_cast %while3A_185 : i32 to index
          %swap3A_270 = arith.constant 448 : index
          %swap3A_271 = tpu.vector_load %arg9[%swap3A_269, %swap3A_270] {strides = array<i32>} : memref<96x1024xf32, #tpu.memory_space<vmem>>, vector<16xf32>,
          tpu.vector_store %arg9[%swap3A_269, %swap3A_270], %broadcast_in_dim3A_1 {strides = array<i32>} : memref<96x1024xf32, #tpu.memory_space<vmem>>, vector<16xf32>,
          %swap3A_272 = arith.index_cast %while3A_185 : i32 to index
          %swap3A_273 = arith.constant 464 : index
          %swap3A_274 = tpu.vector_load %arg9[%swap3A_272, %swap3A_273] {strides = array<i32>} : memref<96x1024xf32, #tpu.memory_space<vmem>>, vector<16xf32>,
          tpu.vector_store %arg9[%swap3A_272, %swap3A_273], %broadcast_in_dim3A_1 {strides = array<i32>} : memref<96x1024xf32, #tpu.memory_space<vmem>>, vector<16xf32>,
          %swap3A_275 = arith.index_cast %while3A_185 : i32 to index
          %swap3A_276 = arith.constant 480 : index
          %swap3A_277 = tpu.vector_load %arg9[%swap3A_275, %swap3A_276] {strides = array<i32>} : memref<96x1024xf32, #tpu.memory_space<vmem>>, vector<16xf32>,
          tpu.vector_store %arg9[%swap3A_275, %swap3A_276], %broadcast_in_dim3A_1 {strides = array<i32>} : memref<96x1024xf32, #tpu.memory_space<vmem>>, vector<16xf32>,
          %swap3A_278 = arith.index_cast %while3A_185 : i32 to index
          %swap3A_279 = arith.constant 496 : index
          %swap3A_280 = tpu.vector_load %arg9[%swap3A_278, %swap3A_279] {strides = array<i32>} : memref<96x1024xf32, #tpu.memory_space<vmem>>, vector<16xf32>,
          tpu.vector_store %arg9[%swap3A_278, %swap3A_279], %broadcast_in_dim3A_1 {strides = array<i32>} : memref<96x1024xf32, #tpu.memory_space<vmem>>, vector<16xf32>,
          %swap3A_281 = arith.index_cast %while3A_185 : i32 to index
          %swap3A_282 = arith.constant 512 : index
          %swap3A_283 = tpu.vector_load %arg9[%swap3A_281, %swap3A_282] {strides = array<i32>} : memref<96x1024xf32, #tpu.memory_space<vmem>>, vector<16xf32>,
          tpu.vector_store %arg9[%swap3A_281, %swap3A_282], %broadcast_in_dim3A_1 {strides = array<i32>} : memref<96x1024xf32, #tpu.memory_space<vmem>>, vector<16xf32>,
          %swap3A_284 = arith.index_cast %while3A_185 : i32 to index
          %swap3A_285 = arith.constant 528 : index
          %swap3A_286 = tpu.vector_load %arg9[%swap3A_284, %swap3A_285] {strides = array<i32>} : memref<96x1024xf32, #tpu.memory_space<vmem>>, vector<16xf32>,
          tpu.vector_store %arg9[%swap3A_284, %swap3A_285], %broadcast_in_dim3A_1 {strides = array<i32>} : memref<96x1024xf32, #tpu.memory_space<vmem>>, vector<16xf32>,
          %swap3A_287 = arith.index_cast %while3A_185 : i32 to index
          %swap3A_288 = arith.constant 544 : index
          %swap3A_289 = tpu.vector_load %arg9[%swap3A_287, %swap3A_288] {strides = array<i32>} : memref<96x1024xf32, #tpu.memory_space<vmem>>, vector<16xf32>,
          tpu.vector_store %arg9[%swap3A_287, %swap3A_288], %broadcast_in_dim3A_1 {strides = array<i32>} : memref<96x1024xf32, #tpu.memory_space<vmem>>, vector<16xf32>,
          %swap3A_290 = arith.index_cast %while3A_185 : i32 to index
          %swap3A_291 = arith.constant 560 : index
          %swap3A_292 = tpu.vector_load %arg9[%swap3A_290, %swap3A_291] {strides = array<i32>} : memref<96x1024xf32, #tpu.memory_space<vmem>>, vector<16xf32>,
          tpu.vector_store %arg9[%swap3A_290, %swap3A_291], %broadcast_in_dim3A_1 {strides = array<i32>} : memref<96x1024xf32, #tpu.memory_space<vmem>>, vector<16xf32>,
          %swap3A_293 = arith.index_cast %while3A_185 : i32 to index
          %swap3A_294 = arith.constant 576 : index
          %swap3A_295 = tpu.vector_load %arg9[%swap3A_293, %swap3A_294] {strides = array<i32>} : memref<96x1024xf32, #tpu.memory_space<vmem>>, vector<16xf32>,
          tpu.vector_store %arg9[%swap3A_293, %swap3A_294], %broadcast_in_dim3A_1 {strides = array<i32>} : memref<96x1024xf32, #tpu.memory_space<vmem>>, vector<16xf32>,
          %swap3A_296 = arith.index_cast %while3A_185 : i32 to index
          %swap3A_297 = arith.constant 592 : index
          %swap3A_298 = tpu.vector_load %arg9[%swap3A_296, %swap3A_297] {strides = array<i32>} : memref<96x1024xf32, #tpu.memory_space<vmem>>, vector<16xf32>,
          tpu.vector_store %arg9[%swap3A_296, %swap3A_297], %broadcast_in_dim3A_1 {strides = array<i32>} : memref<96x1024xf32, #tpu.memory_space<vmem>>, vector<16xf32>,
          %swap3A_299 = arith.index_cast %while3A_185 : i32 to index
          %swap3A_300 = arith.constant 608 : index
          %swap3A_301 = tpu.vector_load %arg9[%swap3A_299, %swap3A_300] {strides = array<i32>} : memref<96x1024xf32, #tpu.memory_space<vmem>>, vector<16xf32>,
          tpu.vector_store %arg9[%swap3A_299, %swap3A_300], %broadcast_in_dim3A_1 {strides = array<i32>} : memref<96x1024xf32, #tpu.memory_space<vmem>>, vector<16xf32>,
          %swap3A_302 = arith.index_cast %while3A_185 : i32 to index
          %swap3A_303 = arith.constant 624 : index
          %swap3A_304 = tpu.vector_load %arg9[%swap3A_302, %swap3A_303] {strides = array<i32>} : memref<96x1024xf32, #tpu.memory_space<vmem>>, vector<16xf32>,
          tpu.vector_store %arg9[%swap3A_302, %swap3A_303], %broadcast_in_dim3A_1 {strides = array<i32>} : memref<96x1024xf32, #tpu.memory_space<vmem>>, vector<16xf32>,
          %swap3A_305 = arith.index_cast %while3A_185 : i32 to index
          %swap3A_306 = arith.constant 640 : index
          %swap3A_307 = tpu.vector_load %arg9[%swap3A_305, %swap3A_306] {strides = array<i32>} : memref<96x1024xf32, #tpu.memory_space<vmem>>, vector<16xf32>,
          tpu.vector_store %arg9[%swap3A_305, %swap3A_306], %broadcast_in_dim3A_1 {strides = array<i32>} : memref<96x1024xf32, #tpu.memory_space<vmem>>, vector<16xf32>,
          %swap3A_308 = arith.index_cast %while3A_185 : i32 to index
          %swap3A_309 = arith.constant 656 : index
          %swap3A_310 = tpu.vector_load %arg9[%swap3A_308, %swap3A_309] {strides = array<i32>} : memref<96x1024xf32, #tpu.memory_space<vmem>>, vector<16xf32>,
          tpu.vector_store %arg9[%swap3A_308, %swap3A_309], %broadcast_in_dim3A_1 {strides = array<i32>} : memref<96x1024xf32, #tpu.memory_space<vmem>>, vector<16xf32>,
          %swap3A_311 = arith.index_cast %while3A_185 : i32 to index
          %swap3A_312 = arith.constant 672 : index
          %swap3A_313 = tpu.vector_load %arg9[%swap3A_311, %swap3A_312] {strides = array<i32>} : memref<96x1024xf32, #tpu.memory_space<vmem>>, vector<16xf32>,
          tpu.vector_store %arg9[%swap3A_311, %swap3A_312], %broadcast_in_dim3A_1 {strides = array<i32>} : memref<96x1024xf32, #tpu.memory_space<vmem>>, vector<16xf32>,
          %swap3A_314 = arith.index_cast %while3A_185 : i32 to index
          %swap3A_315 = arith.constant 688 : index
          %swap3A_316 = tpu.vector_load %arg9[%swap3A_314, %swap3A_315] {strides = array<i32>} : memref<96x1024xf32, #tpu.memory_space<vmem>>, vector<16xf32>,
          tpu.vector_store %arg9[%swap3A_314, %swap3A_315], %broadcast_in_dim3A_1 {strides = array<i32>} : memref<96x1024xf32, #tpu.memory_space<vmem>>, vector<16xf32>,
          %swap3A_317 = arith.index_cast %while3A_185 : i32 to index
          %swap3A_318 = arith.constant 704 : index
          %swap3A_319 = tpu.vector_load %arg9[%swap3A_317, %swap3A_318] {strides = array<i32>} : memref<96x1024xf32, #tpu.memory_space<vmem>>, vector<16xf32>,
          tpu.vector_store %arg9[%swap3A_317, %swap3A_318], %broadcast_in_dim3A_1 {strides = array<i32>} : memref<96x1024xf32, #tpu.memory_space<vmem>>, vector<16xf32>,
          %swap3A_320 = arith.index_cast %while3A_185 : i32 to index
          %swap3A_321 = arith.constant 720 : index
          %swap3A_322 = tpu.vector_load %arg9[%swap3A_320, %swap3A_321] {strides = array<i32>} : memref<96x1024xf32, #tpu.memory_space<vmem>>, vector<16xf32>,
          tpu.vector_store %arg9[%swap3A_320, %swap3A_321], %broadcast_in_dim3A_1 {strides = array<i32>} : memref<96x1024xf32, #tpu.memory_space<vmem>>, vector<16xf32>,
          %swap3A_323 = arith.index_cast %while3A_185 : i32 to index
          %swap3A_324 = arith.constant 736 : index
          %swap3A_325 = tpu.vector_load %arg9[%swap3A_323, %swap3A_324] {strides = array<i32>} : memref<96x1024xf32, #tpu.memory_space<vmem>>, vector<16xf32>,
          tpu.vector_store %arg9[%swap3A_323, %swap3A_324], %broadcast_in_dim3A_1 {strides = array<i32>} : memref<96x1024xf32, #tpu.memory_space<vmem>>, vector<16xf32>,
          %swap3A_326 = arith.index_cast %while3A_185 : i32 to index
          %swap3A_327 = arith.constant 752 : index
          %swap3A_328 = tpu.vector_load %arg9[%swap3A_326, %swap3A_327] {strides = array<i32>} : memref<96x1024xf32, #tpu.memory_space<vmem>>, vector<16xf32>,
          tpu.vector_store %arg9[%swap3A_326, %swap3A_327], %broadcast_in_dim3A_1 {strides = array<i32>} : memref<96x1024xf32, #tpu.memory_space<vmem>>, vector<16xf32>,
          %swap3A_329 = arith.index_cast %while3A_185 : i32 to index
          %swap3A_330 = arith.constant 768 : index
          %swap3A_331 = tpu.vector_load %arg9[%swap3A_329, %swap3A_330] {strides = array<i32>} : memref<96x1024xf32, #tpu.memory_space<vmem>>, vector<16xf32>,
          tpu.vector_store %arg9[%swap3A_329, %swap3A_330], %broadcast_in_dim3A_1 {strides = array<i32>} : memref<96x1024xf32, #tpu.memory_space<vmem>>, vector<16xf32>,
          %swap3A_332 = arith.index_cast %while3A_185 : i32 to index
          %swap3A_333 = arith.constant 784 : index
          %swap3A_334 = tpu.vector_load %arg9[%swap3A_332, %swap3A_333] {strides = array<i32>} : memref<96x1024xf32, #tpu.memory_space<vmem>>, vector<16xf32>,
          tpu.vector_store %arg9[%swap3A_332, %swap3A_333], %broadcast_in_dim3A_1 {strides = array<i32>} : memref<96x1024xf32, #tpu.memory_space<vmem>>, vector<16xf32>,
          %swap3A_335 = arith.index_cast %while3A_185 : i32 to index
          %swap3A_336 = arith.constant 800 : index
          %swap3A_337 = tpu.vector_load %arg9[%swap3A_335, %swap3A_336] {strides = array<i32>} : memref<96x1024xf32, #tpu.memory_space<vmem>>, vector<16xf32>,
          tpu.vector_store %arg9[%swap3A_335, %swap3A_336], %broadcast_in_dim3A_1 {strides = array<i32>} : memref<96x1024xf32, #tpu.memory_space<vmem>>, vector<16xf32>,
          %swap3A_338 = arith.index_cast %while3A_185 : i32 to index
          %swap3A_339 = arith.constant 816 : index
          %swap3A_340 = tpu.vector_load %arg9[%swap3A_338, %swap3A_339] {strides = array<i32>} : memref<96x1024xf32, #tpu.memory_space<vmem>>, vector<16xf32>,
          tpu.vector_store %arg9[%swap3A_338, %swap3A_339], %broadcast_in_dim3A_1 {strides = array<i32>} : memref<96x1024xf32, #tpu.memory_space<vmem>>, vector<16xf32>,
          %swap3A_341 = arith.index_cast %while3A_185 : i32 to index
          %swap3A_342 = arith.constant 832 : index
          %swap3A_343 = tpu.vector_load %arg9[%swap3A_341, %swap3A_342] {strides = array<i32>} : memref<96x1024xf32, #tpu.memory_space<vmem>>, vector<16xf32>,
          tpu.vector_store %arg9[%swap3A_341, %swap3A_342], %broadcast_in_dim3A_1 {strides = array<i32>} : memref<96x1024xf32, #tpu.memory_space<vmem>>, vector<16xf32>,
          %swap3A_344 = arith.index_cast %while3A_185 : i32 to index
          %swap3A_345 = arith.constant 848 : index
          %swap3A_346 = tpu.vector_load %arg9[%swap3A_344, %swap3A_345] {strides = array<i32>} : memref<96x1024xf32, #tpu.memory_space<vmem>>, vector<16xf32>,
          tpu.vector_store %arg9[%swap3A_344, %swap3A_345], %broadcast_in_dim3A_1 {strides = array<i32>} : memref<96x1024xf32, #tpu.memory_space<vmem>>, vector<16xf32>,
          %swap3A_347 = arith.index_cast %while3A_185 : i32 to index
          %swap3A_348 = arith.constant 864 : index
          %swap3A_349 = tpu.vector_load %arg9[%swap3A_347, %swap3A_348] {strides = array<i32>} : memref<96x1024xf32, #tpu.memory_space<vmem>>, vector<16xf32>,
          tpu.vector_store %arg9[%swap3A_347, %swap3A_348], %broadcast_in_dim3A_1 {strides = array<i32>} : memref<96x1024xf32, #tpu.memory_space<vmem>>, vector<16xf32>,
          %swap3A_350 = arith.index_cast %while3A_185 : i32 to index
          %swap3A_351 = arith.constant 880 : index
          %swap3A_352 = tpu.vector_load %arg9[%swap3A_350, %swap3A_351] {strides = array<i32>} : memref<96x1024xf32, #tpu.memory_space<vmem>>, vector<16xf32>,
          tpu.vector_store %arg9[%swap3A_350, %swap3A_351], %broadcast_in_dim3A_1 {strides = array<i32>} : memref<96x1024xf32, #tpu.memory_space<vmem>>, vector<16xf32>,
          %swap3A_353 = arith.index_cast %while3A_185 : i32 to index
          %swap3A_354 = arith.constant 896 : index
          %swap3A_355 = tpu.vector_load %arg9[%swap3A_353, %swap3A_354] {strides = array<i32>} : memref<96x1024xf32, #tpu.memory_space<vmem>>, vector<16xf32>,
          tpu.vector_store %arg9[%swap3A_353, %swap3A_354], %broadcast_in_dim3A_1 {strides = array<i32>} : memref<96x1024xf32, #tpu.memory_space<vmem>>, vector<16xf32>,
          %swap3A_356 = arith.index_cast %while3A_185 : i32 to index
          %swap3A_357 = arith.constant 912 : index
          %swap3A_358 = tpu.vector_load %arg9[%swap3A_356, %swap3A_357] {strides = array<i32>} : memref<96x1024xf32, #tpu.memory_space<vmem>>, vector<16xf32>,
          tpu.vector_store %arg9[%swap3A_356, %swap3A_357], %broadcast_in_dim3A_1 {strides = array<i32>} : memref<96x1024xf32, #tpu.memory_space<vmem>>, vector<16xf32>,
          %swap3A_359 = arith.index_cast %while3A_185 : i32 to index
          %swap3A_360 = arith.constant 928 : index
          %swap3A_361 = tpu.vector_load %arg9[%swap3A_359, %swap3A_360] {strides = array<i32>} : memref<96x1024xf32, #tpu.memory_space<vmem>>, vector<16xf32>,
          tpu.vector_store %arg9[%swap3A_359, %swap3A_360], %broadcast_in_dim3A_1 {strides = array<i32>} : memref<96x1024xf32, #tpu.memory_space<vmem>>, vector<16xf32>,
          %swap3A_362 = arith.index_cast %while3A_185 : i32 to index
          %swap3A_363 = arith.constant 944 : index
          %swap3A_364 = tpu.vector_load %arg9[%swap3A_362, %swap3A_363] {strides = array<i32>} : memref<96x1024xf32, #tpu.memory_space<vmem>>, vector<16xf32>,
          tpu.vector_store %arg9[%swap3A_362, %swap3A_363], %broadcast_in_dim3A_1 {strides = array<i32>} : memref<96x1024xf32, #tpu.memory_space<vmem>>, vector<16xf32>,
          %swap3A_365 = arith.index_cast %while3A_185 : i32 to index
          %swap3A_366 = arith.constant 960 : index
          %swap3A_367 = tpu.vector_load %arg9[%swap3A_365, %swap3A_366] {strides = array<i32>} : memref<96x1024xf32, #tpu.memory_space<vmem>>, vector<16xf32>,
          tpu.vector_store %arg9[%swap3A_365, %swap3A_366], %broadcast_in_dim3A_1 {strides = array<i32>} : memref<96x1024xf32, #tpu.memory_space<vmem>>, vector<16xf32>,
          %swap3A_368 = arith.index_cast %while3A_185 : i32 to index
          %swap3A_369 = arith.constant 976 : index
          %swap3A_370 = tpu.vector_load %arg9[%swap3A_368, %swap3A_369] {strides = array<i32>} : memref<96x1024xf32, #tpu.memory_space<vmem>>, vector<16xf32>,
          tpu.vector_store %arg9[%swap3A_368, %swap3A_369], %broadcast_in_dim3A_1 {strides = array<i32>} : memref<96x1024xf32, #tpu.memory_space<vmem>>, vector<16xf32>,
          %swap3A_371 = arith.index_cast %while3A_185 : i32 to index
          %swap3A_372 = arith.constant 992 : index
          %swap3A_373 = tpu.vector_load %arg9[%swap3A_371, %swap3A_372] {strides = array<i32>} : memref<96x1024xf32, #tpu.memory_space<vmem>>, vector<16xf32>,
          tpu.vector_store %arg9[%swap3A_371, %swap3A_372], %broadcast_in_dim3A_1 {strides = array<i32>} : memref<96x1024xf32, #tpu.memory_space<vmem>>, vector<16xf32>,
          %swap3A_374 = arith.index_cast %while3A_185 : i32 to index
          %swap3A_375 = arith.constant 1008 : index
          %swap3A_376 = tpu.vector_load %arg9[%swap3A_374, %swap3A_375] {strides = array<i32>} : memref<96x1024xf32, #tpu.memory_space<vmem>>, vector<16xf32>,
          tpu.vector_store %arg9[%swap3A_374, %swap3A_375], %broadcast_in_dim3A_1 {strides = array<i32>} : memref<96x1024xf32, #tpu.memory_space<vmem>>, vector<16xf32>,
        }
        %while3A_184 = arith.constant 1 : i32
        scf.for %while3A_185 = %while3A_182 to %while3A_178 step %while3A_184  : i32 {
          %swap3A = arith.index_cast %while3A_185 : i32 to index
          %swap3A_186 = arith.constant 0 : index
          %swap3A_187 = tpu.vector_load %arg9[%swap3A, %swap3A_186] {strides = array<i32>} : memref<96x1024xf32, #tpu.memory_space<vmem>>, vector<16xf32>,
          tpu.vector_store %arg9[%swap3A, %swap3A_186], %broadcast_in_dim3A_1 {strides = array<i32>} : memref<96x1024xf32, #tpu.memory_space<vmem>>, vector<16xf32>,
          %swap3A_188 = arith.index_cast %while3A_185 : i32 to index
          %swap3A_189 = arith.constant 16 : index
          %swap3A_190 = tpu.vector_load %arg9[%swap3A_188, %swap3A_189] {strides = array<i32>} : memref<96x1024xf32, #tpu.memory_space<vmem>>, vector<16xf32>,
          tpu.vector_store %arg9[%swap3A_188, %swap3A_189], %broadcast_in_dim3A_1 {strides = array<i32>} : memref<96x1024xf32, #tpu.memory_space<vmem>>, vector<16xf32>,
          %swap3A_191 = arith.index_cast %while3A_185 : i32 to index
          %swap3A_192 = arith.constant 32 : index
          %swap3A_193 = tpu.vector_load %arg9[%swap3A_191, %swap3A_192] {strides = array<i32>} : memref<96x1024xf32, #tpu.memory_space<vmem>>, vector<16xf32>,
          tpu.vector_store %arg9[%swap3A_191, %swap3A_192], %broadcast_in_dim3A_1 {strides = array<i32>} : memref<96x1024xf32, #tpu.memory_space<vmem>>, vector<16xf32>,
          %swap3A_194 = arith.index_cast %while3A_185 : i32 to index
          %swap3A_195 = arith.constant 48 : index
          %swap3A_196 = tpu.vector_load %arg9[%swap3A_194, %swap3A_195] {strides = array<i32>} : memref<96x1024xf32, #tpu.memory_space<vmem>>, vector<16xf32>,
          tpu.vector_store %arg9[%swap3A_194, %swap3A_195], %broadcast_in_dim3A_1 {strides = array<i32>} : memref<96x1024xf32, #tpu.memory_space<vmem>>, vector<16xf32>,
          %swap3A_197 = arith.index_cast %while3A_185 : i32 to index
          %swap3A_198 = arith.constant 64 : index
          %swap3A_199 = tpu.vector_load %arg9[%swap3A_197, %swap3A_198] {strides = array<i32>} : memref<96x1024xf32, #tpu.memory_space<vmem>>, vector<16xf32>,
          tpu.vector_store %arg9[%swap3A_197, %swap3A_198], %broadcast_in_dim3A_1 {strides = array<i32>} : memref<96x1024xf32, #tpu.memory_space<vmem>>, vector<16xf32>,
          %swap3A_200 = arith.index_cast %while3A_185 : i32 to index
          %swap3A_201 = arith.constant 80 : index
          %swap3A_202 = tpu.vector_load %arg9[%swap3A_200, %swap3A_201] {strides = array<i32>} : memref<96x1024xf32, #tpu.memory_space<vmem>>, vector<16xf32>,
          tpu.vector_store %arg9[%swap3A_200, %swap3A_201], %broadcast_in_dim3A_1 {strides = array<i32>} : memref<96x1024xf32, #tpu.memory_space<vmem>>, vector<16xf32>,
          %swap3A_203 = arith.index_cast %while3A_185 : i32 to index
          %swap3A_204 = arith.constant 96 : index
          %swap3A_205 = tpu.vector_load %arg9[%swap3A_203, %swap3A_204] {strides = array<i32>} : memref<96x1024xf32, #tpu.memory_space<vmem>>, vector<16xf32>,
          tpu.vector_store %arg9[%swap3A_203, %swap3A_204], %broadcast_in_dim3A_1 {strides = array<i32>} : memref<96x1024xf32, #tpu.memory_space<vmem>>, vector<16xf32>,
          %swap3A_206 = arith.index_cast %while3A_185 : i32 to index
          %swap3A_207 = arith.constant 112 : index
          %swap3A_208 = tpu.vector_load %arg9[%swap3A_206, %swap3A_207] {strides = array<i32>} : memref<96x1024xf32, #tpu.memory_space<vmem>>, vector<16xf32>,
          tpu.vector_store %arg9[%swap3A_206, %swap3A_207], %broadcast_in_dim3A_1 {strides = array<i32>} : memref<96x1024xf32, #tpu.memory_space<vmem>>, vector<16xf32>,
          %swap3A_209 = arith.index_cast %while3A_185 : i32 to index
          %swap3A_210 = arith.constant 128 : index
          %swap3A_211 = tpu.vector_load %arg9[%swap3A_209, %swap3A_210] {strides = array<i32>} : memref<96x1024xf32, #tpu.memory_space<vmem>>, vector<16xf32>,
          tpu.vector_store %arg9[%swap3A_209, %swap3A_210], %broadcast_in_dim3A_1 {strides = array<i32>} : memref<96x1024xf32, #tpu.memory_space<vmem>>, vector<16xf32>,
          %swap3A_212 = arith.index_cast %while3A_185 : i32 to index
          %swap3A_213 = arith.constant 144 : index
          %swap3A_214 = tpu.vector_load %arg9[%swap3A_212, %swap3A_213] {strides = array<i32>} : memref<96x1024xf32, #tpu.memory_space<vmem>>, vector<16xf32>,
          tpu.vector_store %arg9[%swap3A_212, %swap3A_213], %broadcast_in_dim3A_1 {strides = array<i32>} : memref<96x1024xf32, #tpu.memory_space<vmem>>, vector<16xf32>,
          %swap3A_215 = arith.index_cast %while3A_185 : i32 to index
          %swap3A_216 = arith.constant 160 : index
          %swap3A_217 = tpu.vector_load %arg9[%swap3A_215, %swap3A_216] {strides = array<i32>} : memref<96x1024xf32, #tpu.memory_space<vmem>>, vector<16xf32>,
          tpu.vector_store %arg9[%swap3A_215, %swap3A_216], %broadcast_in_dim3A_1 {strides = array<i32>} : memref<96x1024xf32, #tpu.memory_space<vmem>>, vector<16xf32>,
          %swap3A_218 = arith.index_cast %while3A_185 : i32 to index
          %swap3A_219 = arith.constant 176 : index
          %swap3A_220 = tpu.vector_load %arg9[%swap3A_218, %swap3A_219] {strides = array<i32>} : memref<96x1024xf32, #tpu.memory_space<vmem>>, vector<16xf32>,
          tpu.vector_store %arg9[%swap3A_218, %swap3A_219], %broadcast_in_dim3A_1 {strides = array<i32>} : memref<96x1024xf32, #tpu.memory_space<vmem>>, vector<16xf32>,
          %swap3A_221 = arith.index_cast %while3A_185 : i32 to index
          %swap3A_222 = arith.constant 192 : index
          %swap3A_223 = tpu.vector_load %arg9[%swap3A_221, %swap3A_222] {strides = array<i32>} : memref<96x1024xf32, #tpu.memory_space<vmem>>, vector<16xf32>,
          tpu.vector_store %arg9[%swap3A_221, %swap3A_222], %broadcast_in_dim3A_1 {strides = array<i32>} : memref<96x1024xf32, #tpu.memory_space<vmem>>, vector<16xf32>,
          %swap3A_224 = arith.index_cast %while3A_185 : i32 to index
          %swap3A_225 = arith.constant 208 : index
          %swap3A_226 = tpu.vector_load %arg9[%swap3A_224, %swap3A_225] {strides = array<i32>} : memref<96x1024xf32, #tpu.memory_space<vmem>>, vector<16xf32>,
          tpu.vector_store %arg9[%swap3A_224, %swap3A_225], %broadcast_in_dim3A_1 {strides = array<i32>} : memref<96x1024xf32, #tpu.memory_space<vmem>>, vector<16xf32>,
          %swap3A_227 = arith.index_cast %while3A_185 : i32 to index
          %swap3A_228 = arith.constant 224 : index
          %swap3A_229 = tpu.vector_load %arg9[%swap3A_227, %swap3A_228] {strides = array<i32>} : memref<96x1024xf32, #tpu.memory_space<vmem>>, vector<16xf32>,
          tpu.vector_store %arg9[%swap3A_227, %swap3A_228], %broadcast_in_dim3A_1 {strides = array<i32>} : memref<96x1024xf32, #tpu.memory_space<vmem>>, vector<16xf32>,
          %swap3A_230 = arith.index_cast %while3A_185 : i32 to index
          %swap3A_231 = arith.constant 240 : index
          %swap3A_232 = tpu.vector_load %arg9[%swap3A_230, %swap3A_231] {strides = array<i32>} : memref<96x1024xf32, #tpu.memory_space<vmem>>, vector<16xf32>,
          tpu.vector_store %arg9[%swap3A_230, %swap3A_231], %broadcast_in_dim3A_1 {strides = array<i32>} : memref<96x1024xf32, #tpu.memory_space<vmem>>, vector<16xf32>,
          %swap3A_233 = arith.index_cast %while3A_185 : i32 to index
          %swap3A_234 = arith.constant 256 : index
          %swap3A_235 = tpu.vector_load %arg9[%swap3A_233, %swap3A_234] {strides = array<i32>} : memref<96x1024xf32, #tpu.memory_space<vmem>>, vector<16xf32>,
          tpu.vector_store %arg9[%swap3A_233, %swap3A_234], %broadcast_in_dim3A_1 {strides = array<i32>} : memref<96x1024xf32, #tpu.memory_space<vmem>>, vector<16xf32>,
          %swap3A_236 = arith.index_cast %while3A_185 : i32 to index
          %swap3A_237 = arith.constant 272 : index
          %swap3A_238 = tpu.vector_load %arg9[%swap3A_236, %swap3A_237] {strides = array<i32>} : memref<96x1024xf32, #tpu.memory_space<vmem>>, vector<16xf32>,
          tpu.vector_store %arg9[%swap3A_236, %swap3A_237], %broadcast_in_dim3A_1 {strides = array<i32>} : memref<96x1024xf32, #tpu.memory_space<vmem>>, vector<16xf32>,
          %swap3A_239 = arith.index_cast %while3A_185 : i32 to index
          %swap3A_240 = arith.constant 288 : index
          %swap3A_241 = tpu.vector_load %arg9[%swap3A_239, %swap3A_240] {strides = array<i32>} : memref<96x1024xf32, #tpu.memory_space<vmem>>, vector<16xf32>,
          tpu.vector_store %arg9[%swap3A_239, %swap3A_240], %broadcast_in_dim3A_1 {strides = array<i32>} : memref<96x1024xf32, #tpu.memory_space<vmem>>, vector<16xf32>,
          %swap3A_242 = arith.index_cast %while3A_185 : i32 to index
          %swap3A_243 = arith.constant 304 : index
          %swap3A_244 = tpu.vector_load %arg9[%swap3A_242, %swap3A_243] {strides = array<i32>} : memref<96x1024xf32, #tpu.memory_space<vmem>>, vector<16xf32>,
          tpu.vector_store %arg9[%swap3A_242, %swap3A_243], %broadcast_in_dim3A_1 {strides = array<i32>} : memref<96x1024xf32, #tpu.memory_space<vmem>>, vector<16xf32>,
          %swap3A_245 = arith.index_cast %while3A_185 : i32 to index
          %swap3A_246 = arith.constant 320 : index
          %swap3A_247 = tpu.vector_load %arg9[%swap3A_245, %swap3A_246] {strides = array<i32>} : memref<96x1024xf32, #tpu.memory_space<vmem>>, vector<16xf32>,
          tpu.vector_store %arg9[%swap3A_245, %swap3A_246], %broadcast_in_dim3A_1 {strides = array<i32>} : memref<96x1024xf32, #tpu.memory_space<vmem>>, vector<16xf32>,
          %swap3A_248 = arith.index_cast %while3A_185 : i32 to index
          %swap3A_249 = arith.constant 336 : index
          %swap3A_250 = tpu.vector_load %arg9[%swap3A_248, %swap3A_249] {strides = array<i32>} : memref<96x1024xf32, #tpu.memory_space<vmem>>, vector<16xf32>,
          tpu.vector_store %arg9[%swap3A_248, %swap3A_249], %broadcast_in_dim3A_1 {strides = array<i32>} : memref<96x1024xf32, #tpu.memory_space<vmem>>, vector<16xf32>,
          %swap3A_251 = arith.index_cast %while3A_185 : i32 to index
          %swap3A_252 = arith.constant 352 : index
          %swap3A_253 = tpu.vector_load %arg9[%swap3A_251, %swap3A_252] {strides = array<i32>} : memref<96x1024xf32, #tpu.memory_space<vmem>>, vector<16xf32>,
          tpu.vector_store %arg9[%swap3A_251, %swap3A_252], %broadcast_in_dim3A_1 {strides = array<i32>} : memref<96x1024xf32, #tpu.memory_space<vmem>>, vector<16xf32>,
          %swap3A_254 = arith.index_cast %while3A_185 : i32 to index
          %swap3A_255 = arith.constant 368 : index
          %swap3A_256 = tpu.vector_load %arg9[%swap3A_254, %swap3A_255] {strides = array<i32>} : memref<96x1024xf32, #tpu.memory_space<vmem>>, vector<16xf32>,
          tpu.vector_store %arg9[%swap3A_254, %swap3A_255], %broadcast_in_dim3A_1 {strides = array<i32>} : memref<96x1024xf32, #tpu.memory_space<vmem>>, vector<16xf32>,
          %swap3A_257 = arith.index_cast %while3A_185 : i32 to index
          %swap3A_258 = arith.constant 384 : index
          %swap3A_259 = tpu.vector_load %arg9[%swap3A_257, %swap3A_258] {strides = array<i32>} : memref<96x1024xf32, #tpu.memory_space<vmem>>, vector<16xf32>,
          tpu.vector_store %arg9[%swap3A_257, %swap3A_258], %broadcast_in_dim3A_1 {strides = array<i32>} : memref<96x1024xf32, #tpu.memory_space<vmem>>, vector<16xf32>,
          %swap3A_260 = arith.index_cast %while3A_185 : i32 to index
          %swap3A_261 = arith.constant 400 : index
          %swap3A_262 = tpu.vector_load %arg9[%swap3A_260, %swap3A_261] {strides = array<i32>} : memref<96x1024xf32, #tpu.memory_space<vmem>>, vector<16xf32>,
          tpu.vector_store %arg9[%swap3A_260, %swap3A_261], %broadcast_in_dim3A_1 {strides = array<i32>} : memref<96x1024xf32, #tpu.memory_space<vmem>>, vector<16xf32>,
          %swap3A_263 = arith.index_cast %while3A_185 : i32 to index
          %swap3A_264 = arith.constant 416 : index
          %swap3A_265 = tpu.vector_load %arg9[%swap3A_263, %swap3A_264] {strides = array<i32>} : memref<96x1024xf32, #tpu.memory_space<vmem>>, vector<16xf32>,
          tpu.vector_store %arg9[%swap3A_263, %swap3A_264], %broadcast_in_dim3A_1 {strides = array<i32>} : memref<96x1024xf32, #tpu.memory_space<vmem>>, vector<16xf32>,
          %swap3A_266 = arith.index_cast %while3A_185 : i32 to index
          %swap3A_267 = arith.constant 432 : index
          %swap3A_268 = tpu.vector_load %arg9[%swap3A_266, %swap3A_267] {strides = array<i32>} : memref<96x1024xf32, #tpu.memory_space<vmem>>, vector<16xf32>,
          tpu.vector_store %arg9[%swap3A_266, %swap3A_267], %broadcast_in_dim3A_1 {strides = array<i32>} : memref<96x1024xf32, #tpu.memory_space<vmem>>, vector<16xf32>,
          %swap3A_269 = arith.index_cast %while3A_185 : i32 to index
          %swap3A_270 = arith.constant 448 : index
          %swap3A_271 = tpu.vector_load %arg9[%swap3A_269, %swap3A_270] {strides = array<i32>} : memref<96x1024xf32, #tpu.memory_space<vmem>>, vector<16xf32>,
          tpu.vector_store %arg9[%swap3A_269, %swap3A_270], %broadcast_in_dim3A_1 {strides = array<i32>} : memref<96x1024xf32, #tpu.memory_space<vmem>>, vector<16xf32>,
          %swap3A_272 = arith.index_cast %while3A_185 : i32 to index
          %swap3A_273 = arith.constant 464 : index
          %swap3A_274 = tpu.vector_load %arg9[%swap3A_272, %swap3A_273] {strides = array<i32>} : memref<96x1024xf32, #tpu.memory_space<vmem>>, vector<16xf32>,
          tpu.vector_store %arg9[%swap3A_272, %swap3A_273], %broadcast_in_dim3A_1 {strides = array<i32>} : memref<96x1024xf32, #tpu.memory_space<vmem>>, vector<16xf32>,
          %swap3A_275 = arith.index_cast %while3A_185 : i32 to index
          %swap3A_276 = arith.constant 480 : index
          %swap3A_277 = tpu.vector_load %arg9[%swap3A_275, %swap3A_276] {strides = array<i32>} : memref<96x1024xf32, #tpu.memory_space<vmem>>, vector<16xf32>,
          tpu.vector_store %arg9[%swap3A_275, %swap3A_276], %broadcast_in_dim3A_1 {strides = array<i32>} : memref<96x1024xf32, #tpu.memory_space<vmem>>, vector<16xf32>,
          %swap3A_278 = arith.index_cast %while3A_185 : i32 to index
          %swap3A_279 = arith.constant 496 : index
          %swap3A_280 = tpu.vector_load %arg9[%swap3A_278, %swap3A_279] {strides = array<i32>} : memref<96x1024xf32, #tpu.memory_space<vmem>>, vector<16xf32>,
          tpu.vector_store %arg9[%swap3A_278, %swap3A_279], %broadcast_in_dim3A_1 {strides = array<i32>} : memref<96x1024xf32, #tpu.memory_space<vmem>>, vector<16xf32>,
          %swap3A_281 = arith.index_cast %while3A_185 : i32 to index
          %swap3A_282 = arith.constant 512 : index
          %swap3A_283 = tpu.vector_load %arg9[%swap3A_281, %swap3A_282] {strides = array<i32>} : memref<96x1024xf32, #tpu.memory_space<vmem>>, vector<16xf32>,
          tpu.vector_store %arg9[%swap3A_281, %swap3A_282], %broadcast_in_dim3A_1 {strides = array<i32>} : memref<96x1024xf32, #tpu.memory_space<vmem>>, vector<16xf32>,
          %swap3A_284 = arith.index_cast %while3A_185 : i32 to index
          %swap3A_285 = arith.constant 528 : index
          %swap3A_286 = tpu.vector_load %arg9[%swap3A_284, %swap3A_285] {strides = array<i32>} : memref<96x1024xf32, #tpu.memory_space<vmem>>, vector<16xf32>,
          tpu.vector_store %arg9[%swap3A_284, %swap3A_285], %broadcast_in_dim3A_1 {strides = array<i32>} : memref<96x1024xf32, #tpu.memory_space<vmem>>, vector<16xf32>,
          %swap3A_287 = arith.index_cast %while3A_185 : i32 to index
          %swap3A_288 = arith.constant 544 : index
          %swap3A_289 = tpu.vector_load %arg9[%swap3A_287, %swap3A_288] {strides = array<i32>} : memref<96x1024xf32, #tpu.memory_space<vmem>>, vector<16xf32>,
          tpu.vector_store %arg9[%swap3A_287, %swap3A_288], %broadcast_in_dim3A_1 {strides = array<i32>} : memref<96x1024xf32, #tpu.memory_space<vmem>>, vector<16xf32>,
          %swap3A_290 = arith.index_cast %while3A_185 : i32 to index
          %swap3A_291 = arith.constant 560 : index
          %swap3A_292 = tpu.vector_load %arg9[%swap3A_290, %swap3A_291] {strides = array<i32>} : memref<96x1024xf32, #tpu.memory_space<vmem>>, vector<16xf32>,
          tpu.vector_store %arg9[%swap3A_290, %swap3A_291], %broadcast_in_dim3A_1 {strides = array<i32>} : memref<96x1024xf32, #tpu.memory_space<vmem>>, vector<16xf32>,
          %swap3A_293 = arith.index_cast %while3A_185 : i32 to index
          %swap3A_294 = arith.constant 576 : index
          %swap3A_295 = tpu.vector_load %arg9[%swap3A_293, %swap3A_294] {strides = array<i32>} : memref<96x1024xf32, #tpu.memory_space<vmem>>, vector<16xf32>,
          tpu.vector_store %arg9[%swap3A_293, %swap3A_294], %broadcast_in_dim3A_1 {strides = array<i32>} : memref<96x1024xf32, #tpu.memory_space<vmem>>, vector<16xf32>,
          %swap3A_296 = arith.index_cast %while3A_185 : i32 to index
          %swap3A_297 = arith.constant 592 : index
          %swap3A_298 = tpu.vector_load %arg9[%swap3A_296, %swap3A_297] {strides = array<i32>} : memref<96x1024xf32, #tpu.memory_space<vmem>>, vector<16xf32>,
          tpu.vector_store %arg9[%swap3A_296, %swap3A_297], %broadcast_in_dim3A_1 {strides = array<i32>} : memref<96x1024xf32, #tpu.memory_space<vmem>>, vector<16xf32>,
          %swap3A_299 = arith.index_cast %while3A_185 : i32 to index
          %swap3A_300 = arith.constant 608 : index
          %swap3A_301 = tpu.vector_load %arg9[%swap3A_299, %swap3A_300] {strides = array<i32>} : memref<96x1024xf32, #tpu.memory_space<vmem>>, vector<16xf32>,
          tpu.vector_store %arg9[%swap3A_299, %swap3A_300], %broadcast_in_dim3A_1 {strides = array<i32>} : memref<96x1024xf32, #tpu.memory_space<vmem>>, vector<16xf32>,
          %swap3A_302 = arith.index_cast %while3A_185 : i32 to index
          %swap3A_303 = arith.constant 624 : index
          %swap3A_304 = tpu.vector_load %arg9[%swap3A_302, %swap3A_303] {strides = array<i32>} : memref<96x1024xf32, #tpu.memory_space<vmem>>, vector<16xf32>,
          tpu.vector_store %arg9[%swap3A_302, %swap3A_303], %broadcast_in_dim3A_1 {strides = array<i32>} : memref<96x1024xf32, #tpu.memory_space<vmem>>, vector<16xf32>,
          %swap3A_305 = arith.index_cast %while3A_185 : i32 to index
          %swap3A_306 = arith.constant 640 : index
          %swap3A_307 = tpu.vector_load %arg9[%swap3A_305, %swap3A_306] {strides = array<i32>} : memref<96x1024xf32, #tpu.memory_space<vmem>>, vector<16xf32>,
          tpu.vector_store %arg9[%swap3A_305, %swap3A_306], %broadcast_in_dim3A_1 {strides = array<i32>} : memref<96x1024xf32, #tpu.memory_space<vmem>>, vector<16xf32>,
          %swap3A_308 = arith.index_cast %while3A_185 : i32 to index
          %swap3A_309 = arith.constant 656 : index
          %swap3A_310 = tpu.vector_load %arg9[%swap3A_308, %swap3A_309] {strides = array<i32>} : memref<96x1024xf32, #tpu.memory_space<vmem>>, vector<16xf32>,
          tpu.vector_store %arg9[%swap3A_308, %swap3A_309], %broadcast_in_dim3A_1 {strides = array<i32>} : memref<96x1024xf32, #tpu.memory_space<vmem>>, vector<16xf32>,
          %swap3A_311 = arith.index_cast %while3A_185 : i32 to index
          %swap3A_312 = arith.constant 672 : index
          %swap3A_313 = tpu.vector_load %arg9[%swap3A_311, %swap3A_312] {strides = array<i32>} : memref<96x1024xf32, #tpu.memory_space<vmem>>, vector<16xf32>,
          tpu.vector_store %arg9[%swap3A_311, %swap3A_312], %broadcast_in_dim3A_1 {strides = array<i32>} : memref<96x1024xf32, #tpu.memory_space<vmem>>, vector<16xf32>,
          %swap3A_314 = arith.index_cast %while3A_185 : i32 to index
          %swap3A_315 = arith.constant 688 : index
          %swap3A_316 = tpu.vector_load %arg9[%swap3A_314, %swap3A_315] {strides = array<i32>} : memref<96x1024xf32, #tpu.memory_space<vmem>>, vector<16xf32>,
          tpu.vector_store %arg9[%swap3A_314, %swap3A_315], %broadcast_in_dim3A_1 {strides = array<i32>} : memref<96x1024xf32, #tpu.memory_space<vmem>>, vector<16xf32>,
          %swap3A_317 = arith.index_cast %while3A_185 : i32 to index
          %swap3A_318 = arith.constant 704 : index
          %swap3A_319 = tpu.vector_load %arg9[%swap3A_317, %swap3A_318] {strides = array<i32>} : memref<96x1024xf32, #tpu.memory_space<vmem>>, vector<16xf32>,
          tpu.vector_store %arg9[%swap3A_317, %swap3A_318], %broadcast_in_dim3A_1 {strides = array<i32>} : memref<96x1024xf32, #tpu.memory_space<vmem>>, vector<16xf32>,
          %swap3A_320 = arith.index_cast %while3A_185 : i32 to index
          %swap3A_321 = arith.constant 720 : index
          %swap3A_322 = tpu.vector_load %arg9[%swap3A_320, %swap3A_321] {strides = array<i32>} : memref<96x1024xf32, #tpu.memory_space<vmem>>, vector<16xf32>,
          tpu.vector_store %arg9[%swap3A_320, %swap3A_321], %broadcast_in_dim3A_1 {strides = array<i32>} : memref<96x1024xf32, #tpu.memory_space<vmem>>, vector<16xf32>,
          %swap3A_323 = arith.index_cast %while3A_185 : i32 to index
          %swap3A_324 = arith.constant 736 : index
          %swap3A_325 = tpu.vector_load %arg9[%swap3A_323, %swap3A_324] {strides = array<i32>} : memref<96x1024xf32, #tpu.memory_space<vmem>>, vector<16xf32>,
          tpu.vector_store %arg9[%swap3A_323, %swap3A_324], %broadcast_in_dim3A_1 {strides = array<i32>} : memref<96x1024xf32, #tpu.memory_space<vmem>>, vector<16xf32>,
          %swap3A_326 = arith.index_cast %while3A_185 : i32 to index
          %swap3A_327 = arith.constant 752 : index
          %swap3A_328 = tpu.vector_load %arg9[%swap3A_326, %swap3A_327] {strides = array<i32>} : memref<96x1024xf32, #tpu.memory_space<vmem>>, vector<16xf32>,
          tpu.vector_store %arg9[%swap3A_326, %swap3A_327], %broadcast_in_dim3A_1 {strides = array<i32>} : memref<96x1024xf32, #tpu.memory_space<vmem>>, vector<16xf32>,
          %swap3A_329 = arith.index_cast %while3A_185 : i32 to index
          %swap3A_330 = arith.constant 768 : index
          %swap3A_331 = tpu.vector_load %arg9[%swap3A_329, %swap3A_330] {strides = array<i32>} : memref<96x1024xf32, #tpu.memory_space<vmem>>, vector<16xf32>,
          tpu.vector_store %arg9[%swap3A_329, %swap3A_330], %broadcast_in_dim3A_1 {strides = array<i32>} : memref<96x1024xf32, #tpu.memory_space<vmem>>, vector<16xf32>,
          %swap3A_332 = arith.index_cast %while3A_185 : i32 to index
          %swap3A_333 = arith.constant 784 : index
          %swap3A_334 = tpu.vector_load %arg9[%swap3A_332, %swap3A_333] {strides = array<i32>} : memref<96x1024xf32, #tpu.memory_space<vmem>>, vector<16xf32>,
          tpu.vector_store %arg9[%swap3A_332, %swap3A_333], %broadcast_in_dim3A_1 {strides = array<i32>} : memref<96x1024xf32, #tpu.memory_space<vmem>>, vector<16xf32>,
          %swap3A_335 = arith.index_cast %while3A_185 : i32 to index
          %swap3A_336 = arith.constant 800 : index
          %swap3A_337 = tpu.vector_load %arg9[%swap3A_335, %swap3A_336] {strides = array<i32>} : memref<96x1024xf32, #tpu.memory_space<vmem>>, vector<16xf32>,
          tpu.vector_store %arg9[%swap3A_335, %swap3A_336], %broadcast_in_dim3A_1 {strides = array<i32>} : memref<96x1024xf32, #tpu.memory_space<vmem>>, vector<16xf32>,
          %swap3A_338 = arith.index_cast %while3A_185 : i32 to index
          %swap3A_339 = arith.constant 816 : index
          %swap3A_340 = tpu.vector_load %arg9[%swap3A_338, %swap3A_339] {strides = array<i32>} : memref<96x1024xf32, #tpu.memory_space<vmem>>, vector<16xf32>,
          tpu.vector_store %arg9[%swap3A_338, %swap3A_339], %broadcast_in_dim3A_1 {strides = array<i32>} : memref<96x1024xf32, #tpu.memory_space<vmem>>, vector<16xf32>,
          %swap3A_341 = arith.index_cast %while3A_185 : i32 to index
          %swap3A_342 = arith.constant 832 : index
          %swap3A_343 = tpu.vector_load %arg9[%swap3A_341, %swap3A_342] {strides = array<i32>} : memref<96x1024xf32, #tpu.memory_space<vmem>>, vector<16xf32>,
          tpu.vector_store %arg9[%swap3A_341, %swap3A_342], %broadcast_in_dim3A_1 {strides = array<i32>} : memref<96x1024xf32, #tpu.memory_space<vmem>>, vector<16xf32>,
          %swap3A_344 = arith.index_cast %while3A_185 : i32 to index
          %swap3A_345 = arith.constant 848 : index
          %swap3A_346 = tpu.vector_load %arg9[%swap3A_344, %swap3A_345] {strides = array<i32>} : memref<96x1024xf32, #tpu.memory_space<vmem>>, vector<16xf32>,
          tpu.vector_store %arg9[%swap3A_344, %swap3A_345], %broadcast_in_dim3A_1 {strides = array<i32>} : memref<96x1024xf32, #tpu.memory_space<vmem>>, vector<16xf32>,
          %swap3A_347 = arith.index_cast %while3A_185 : i32 to index
          %swap3A_348 = arith.constant 864 : index
          %swap3A_349 = tpu.vector_load %arg9[%swap3A_347, %swap3A_348] {strides = array<i32>} : memref<96x1024xf32, #tpu.memory_space<vmem>>, vector<16xf32>,
          tpu.vector_store %arg9[%swap3A_347, %swap3A_348], %broadcast_in_dim3A_1 {strides = array<i32>} : memref<96x1024xf32, #tpu.memory_space<vmem>>, vector<16xf32>,
          %swap3A_350 = arith.index_cast %while3A_185 : i32 to index
          %swap3A_351 = arith.constant 880 : index
          %swap3A_352 = tpu.vector_load %arg9[%swap3A_350, %swap3A_351] {strides = array<i32>} : memref<96x1024xf32, #tpu.memory_space<vmem>>, vector<16xf32>,
          tpu.vector_store %arg9[%swap3A_350, %swap3A_351], %broadcast_in_dim3A_1 {strides = array<i32>} : memref<96x1024xf32, #tpu.memory_space<vmem>>, vector<16xf32>,
          %swap3A_353 = arith.index_cast %while3A_185 : i32 to index
          %swap3A_354 = arith.constant 896 : index
          %swap3A_355 = tpu.vector_load %arg9[%swap3A_353, %swap3A_354] {strides = array<i32>} : memref<96x1024xf32, #tpu.memory_space<vmem>>, vector<16xf32>,
          tpu.vector_store %arg9[%swap3A_353, %swap3A_354], %broadcast_in_dim3A_1 {strides = array<i32>} : memref<96x1024xf32, #tpu.memory_space<vmem>>, vector<16xf32>,
          %swap3A_356 = arith.index_cast %while3A_185 : i32 to index
          %swap3A_357 = arith.constant 912 : index
          %swap3A_358 = tpu.vector_load %arg9[%swap3A_356, %swap3A_357] {strides = array<i32>} : memref<96x1024xf32, #tpu.memory_space<vmem>>, vector<16xf32>,
          tpu.vector_store %arg9[%swap3A_356, %swap3A_357], %broadcast_in_dim3A_1 {strides = array<i32>} : memref<96x1024xf32, #tpu.memory_space<vmem>>, vector<16xf32>,
          %swap3A_359 = arith.index_cast %while3A_185 : i32 to index
          %swap3A_360 = arith.constant 928 : index
          %swap3A_361 = tpu.vector_load %arg9[%swap3A_359, %swap3A_360] {strides = array<i32>} : memref<96x1024xf32, #tpu.memory_space<vmem>>, vector<16xf32>,
          tpu.vector_store %arg9[%swap3A_359, %swap3A_360], %broadcast_in_dim3A_1 {strides = array<i32>} : memref<96x1024xf32, #tpu.memory_space<vmem>>, vector<16xf32>,
          %swap3A_362 = arith.index_cast %while3A_185 : i32 to index
          %swap3A_363 = arith.constant 944 : index
          %swap3A_364 = tpu.vector_load %arg9[%swap3A_362, %swap3A_363] {strides = array<i32>} : memref<96x1024xf32, #tpu.memory_space<vmem>>, vector<16xf32>,
          tpu.vector_store %arg9[%swap3A_362, %swap3A_363], %broadcast_in_dim3A_1 {strides = array<i32>} : memref<96x1024xf32, #tpu.memory_space<vmem>>, vector<16xf32>,
          %swap3A_365 = arith.index_cast %while3A_185 : i32 to index
          %swap3A_366 = arith.constant 960 : index
          %swap3A_367 = tpu.vector_load %arg9[%swap3A_365, %swap3A_366] {strides = array<i32>} : memref<96x1024xf32, #tpu.memory_space<vmem>>, vector<16xf32>,
          tpu.vector_store %arg9[%swap3A_365, %swap3A_366], %broadcast_in_dim3A_1 {strides = array<i32>} : memref<96x1024xf32, #tpu.memory_space<vmem>>, vector<16xf32>,
          %swap3A_368 = arith.index_cast %while3A_185 : i32 to index
          %swap3A_369 = arith.constant 976 : index
          %swap3A_370 = tpu.vector_load %arg9[%swap3A_368, %swap3A_369] {strides = array<i32>} : memref<96x1024xf32, #tpu.memory_space<vmem>>, vector<16xf32>,
          tpu.vector_store %arg9[%swap3A_368, %swap3A_369], %broadcast_in_dim3A_1 {strides = array<i32>} : memref<96x1024xf32, #tpu.memory_space<vmem>>, vector<16xf32>,
          %swap3A_371 = arith.index_cast %while3A_185 : i32 to index
          %swap3A_372 = arith.constant 992 : index
          %swap3A_373 = tpu.vector_load %arg9[%swap3A_371, %swap3A_372] {strides = array<i32>} : memref<96x1024xf32, #tpu.memory_space<vmem>>, vector<16xf32>,
          tpu.vector_store %arg9[%swap3A_371, %swap3A_372], %broadcast_in_dim3A_1 {strides = array<i32>} : memref<96x1024xf32, #tpu.memory_space<vmem>>, vector<16xf32>,
          %swap3A_374 = arith.index_cast %while3A_185 : i32 to index
          %swap3A_375 = arith.constant 1008 : index
          %swap3A_376 = tpu.vector_load %arg9[%swap3A_374, %swap3A_375] {strides = array<i32>} : memref<96x1024xf32, #tpu.memory_space<vmem>>, vector<16xf32>,
          tpu.vector_store %arg9[%swap3A_374, %swap3A_375], %broadcast_in_dim3A_1 {strides = array<i32>} : memref<96x1024xf32, #tpu.memory_space<vmem>>, vector<16xf32>,
        }
      } else {
      }
      %ge3A = arith.constant 6 : i32
      %ge3A_139 = arith.cmpi sge, %scan3A_107, %ge3A : i32
      %convert_element_type3A_140 = arith.extui %ge3A_139 : i1 to i32
      %cond3A_141 = arith.constant 0 : i32
      %cond3A_142 = arith.cmpi ne, %convert_element_type3A_140, %cond3A_141 : i32
      scf.if %cond3A_142 {
        %dma_wait3A_174 = arith.constant 0 : i32
        %dma_wait3A_175 = tpu.memref_slice %arg9[%mul3A_133, %dma_wait3A_174] : memref<96x1024xf32, #tpu.memory_space<vmem>> -> memref<16x1024xf32, #tpu.memory_space<vmem>>
        %dma_wait3A_176 = arith.constant 0 : i32
        %dma_wait3A_177 = arith.constant 0 : i32
        %dma_wait3A_178 = tpu.memref_slice %arg3[%dma_wait3A_176, %dma_wait3A_177] : memref<100000x1024xf32, #tpu.memory_space<hbm>> -> memref<16x1024xf32, #tpu.memory_space<hbm>>
        %dma_wait3A_179 = arith.constant 0 : i32
        %dma_wait3A_180 = arith.constant 0 : i32
        %dma_wait3A_181 = tpu.memref_slice %arg3[%dma_wait3A_179, %dma_wait3A_180] : memref<100000x1024xf32, #tpu.memory_space<hbm>> -> memref<16x1024xf32, #tpu.memory_space<hbm>>
        %dma_wait3A_182 = arith.constant 0 : i32
        %dma_wait3A_183 = tpu.memref_slice %arg9[%mul3A_133, %dma_wait3A_182] : memref<96x1024xf32, #tpu.memory_space<vmem>> -> memref<16x1024xf32, #tpu.memory_space<vmem>>
        tpu.wait_dma2 semaphore(%arg10 : memref<!tpu.dma_semaphore, #tpu.memory_space<semaphore_mem>>) src(%dma_wait3A_183 : memref<16x1024xf32, #tpu.memory_space<vmem>>) dst(%dma_wait3A_181 : memref<16x1024xf32, #tpu.memory_space<hbm>>)
        %sub3A_184 = arith.constant 192 : i32
        %sub3A_185 = arith.subi %add3A_110, %sub3A_184 : i32
        %ge3A_186 = arith.constant 0 : i32
        %ge3A_187 = vector.broadcast %ge3A_186 : i32 to vector<16xi32>
        %ge3A_188 = arith.cmpi sge, %iota3A, %ge3A_187 : vector<16xi32>
        %while3A_189 = arith.constant 0 : i32
        %while3A_190 = arith.constant 0 : i32
        %while3A_191 = arith.subi %shift_right_arithmetic3A_21, %while3A_190 : i32
        %while3A_192 = arith.addi %while3A_190, %while3A_191 : i32
        %while3A_193 = arith.constant 1 : i32
        %while3A_194 = arith.divsi %while3A_191, %while3A_193 : i32
        %while3A_195 = arith.muli %while3A_194, %while3A_193 : i32
        %while3A_196 = arith.addi %while3A_190, %while3A_195 : i32
        %while3A_197 = arith.constant 1 : i32
        scf.for %while3A_209 = %while3A_190 to %while3A_196 step %while3A_197  : i32 {
          %mul3A_210 = arith.constant 16 : i32
          %mul3A_211 = arith.muli %while3A_209, %mul3A_210 : i32
          %get3A = arith.index_cast %mul3A_211 : i32 to index
          %get3A_212 = tpu.vector_load %arg5[%get3A] {strides = array<i32>} : memref<1040xi32, #tpu.memory_space<vmem>>, vector<16xi32>,
          %mul3A_213 = arith.constant 16 : i32
          %mul3A_214 = arith.muli %while3A_209, %mul3A_213 : i32
          %get3A_215 = arith.index_cast %mul3A_214 : i32 to index
          %get3A_216 = tpu.vector_load %arg6[%get3A_215] {strides = array<i32>} : memref<1040xi32, #tpu.memory_space<vmem>>, vector<16xi32>,
          %mul3A_217 = arith.constant 16 : i32
          %mul3A_218 = arith.muli %while3A_209, %mul3A_217 : i32
          %add3A_219 = vector.broadcast %mul3A_218 : i32 to vector<16xi32>
          %add3A_220 = arith.addi %add3A_219, %iota3A : vector<16xi32>
          %lt3A_221 = vector.broadcast %scan3A_15#0 : i32 to vector<16xi32>
          %lt3A_222 = arith.cmpi slt, %add3A_220, %lt3A_221 : vector<16xi32>
          %eq3A_223 = vector.broadcast %sub3A_185 : i32 to vector<16xi32>
          %eq3A_224 = arith.cmpi eq, %get3A_212, %eq3A_223 : vector<16xi32>
          %and3A_225 = arith.andi %eq3A_224, %lt3A_222 : vector<16xi1>
          %and3A_226 = arith.andi %and3A_225, %ge3A_188 : vector<16xi1>
          %shift_right_arithmetic3A_227 = arith.constant 10 : i32
          %shift_right_arithmetic3A_228 = vector.broadcast %shift_right_arithmetic3A_227 : i32 to vector<16xi32>
          %shift_right_arithmetic3A_229 = arith.shrsi %get3A_216, %shift_right_arithmetic3A_228 : vector<16xi32>
          %add3A_230 = vector.broadcast %mul3A_133 : i32 to vector<16xi32>
          %add3A_231 = arith.addi %add3A_230, %shift_right_arithmetic3A_229 : vector<16xi32>
          %and3A_232 = arith.constant 1023 : i32
          %and3A_233 = vector.broadcast %and3A_232 : i32 to vector<16xi32>
          %and3A_234 = arith.andi %get3A_216, %and3A_233 : vector<16xi32>
          tpu.vector_store_idx %arg9[%add3A_231, %and3A_234], %broadcast_in_dim3A_1 masked %and3A_226 : memref<96x1024xf32, #tpu.memory_space<vmem>>[vector<16xi32>, vector<16xi32>], vector<16xf32>, vector<16xi1>
        }
        %while3A_198 = arith.constant 1 : i32
        scf.for %while3A_209 = %while3A_196 to %while3A_192 step %while3A_198  : i32 {
          %mul3A_210 = arith.constant 16 : i32
          %mul3A_211 = arith.muli %while3A_209, %mul3A_210 : i32
          %get3A = arith.index_cast %mul3A_211 : i32 to index
          %get3A_212 = tpu.vector_load %arg5[%get3A] {strides = array<i32>} : memref<1040xi32, #tpu.memory_space<vmem>>, vector<16xi32>,
          %mul3A_213 = arith.constant 16 : i32
          %mul3A_214 = arith.muli %while3A_209, %mul3A_213 : i32
          %get3A_215 = arith.index_cast %mul3A_214 : i32 to index
          %get3A_216 = tpu.vector_load %arg6[%get3A_215] {strides = array<i32>} : memref<1040xi32, #tpu.memory_space<vmem>>, vector<16xi32>,
          %mul3A_217 = arith.constant 16 : i32
          %mul3A_218 = arith.muli %while3A_209, %mul3A_217 : i32
          %add3A_219 = vector.broadcast %mul3A_218 : i32 to vector<16xi32>
          %add3A_220 = arith.addi %add3A_219, %iota3A : vector<16xi32>
          %lt3A_221 = vector.broadcast %scan3A_15#0 : i32 to vector<16xi32>
          %lt3A_222 = arith.cmpi slt, %add3A_220, %lt3A_221 : vector<16xi32>
          %eq3A_223 = vector.broadcast %sub3A_185 : i32 to vector<16xi32>
          %eq3A_224 = arith.cmpi eq, %get3A_212, %eq3A_223 : vector<16xi32>
          %and3A_225 = arith.andi %eq3A_224, %lt3A_222 : vector<16xi1>
          %and3A_226 = arith.andi %and3A_225, %ge3A_188 : vector<16xi1>
          %shift_right_arithmetic3A_227 = arith.constant 10 : i32
          %shift_right_arithmetic3A_228 = vector.broadcast %shift_right_arithmetic3A_227 : i32 to vector<16xi32>
          %shift_right_arithmetic3A_229 = arith.shrsi %get3A_216, %shift_right_arithmetic3A_228 : vector<16xi32>
          %add3A_230 = vector.broadcast %mul3A_133 : i32 to vector<16xi32>
          %add3A_231 = arith.addi %add3A_230, %shift_right_arithmetic3A_229 : vector<16xi32>
          %and3A_232 = arith.constant 1023 : i32
          %and3A_233 = vector.broadcast %and3A_232 : i32 to vector<16xi32>
          %and3A_234 = arith.andi %get3A_216, %and3A_233 : vector<16xi32>
          tpu.vector_store_idx %arg9[%add3A_231, %and3A_234], %broadcast_in_dim3A_1 masked %and3A_226 : memref<96x1024xf32, #tpu.memory_space<vmem>>[vector<16xi32>, vector<16xi32>], vector<16xf32>, vector<16xi1>
        }
        %while3A_199 = arith.constant 0 : i32
        %while3A_200 = arith.constant 0 : i32
        %while3A_201 = arith.subi %shift_right_arithmetic3A_27, %while3A_200 : i32
        %while3A_202 = arith.addi %while3A_200, %while3A_201 : i32
        %while3A_203 = arith.constant 1 : i32
        %while3A_204 = arith.divsi %while3A_201, %while3A_203 : i32
        %while3A_205 = arith.muli %while3A_204, %while3A_203 : i32
        %while3A_206 = arith.addi %while3A_200, %while3A_205 : i32
        %while3A_207 = arith.constant 1 : i32
        scf.for %while3A_209 = %while3A_200 to %while3A_206 step %while3A_207  : i32 {
          %mul3A_210 = arith.constant 16 : i32
          %mul3A_211 = arith.muli %while3A_209, %mul3A_210 : i32
          %get3A = arith.index_cast %mul3A_211 : i32 to index
          %get3A_212 = tpu.vector_load %arg7[%get3A] {strides = array<i32>} : memref<1040xi32, #tpu.memory_space<vmem>>, vector<16xi32>,
          %mul3A_213 = arith.constant 16 : i32
          %mul3A_214 = arith.muli %while3A_209, %mul3A_213 : i32
          %get3A_215 = arith.index_cast %mul3A_214 : i32 to index
          %get3A_216 = tpu.vector_load %arg8[%get3A_215] {strides = array<i32>} : memref<1040xi32, #tpu.memory_space<vmem>>, vector<16xi32>,
          %mul3A_217 = arith.constant 16 : i32
          %mul3A_218 = arith.muli %while3A_209, %mul3A_217 : i32
          %add3A_219 = vector.broadcast %mul3A_218 : i32 to vector<16xi32>
          %add3A_220 = arith.addi %add3A_219, %iota3A : vector<16xi32>
          %lt3A_221 = vector.broadcast %scan3A_15#1 : i32 to vector<16xi32>
          %lt3A_222 = arith.cmpi slt, %add3A_220, %lt3A_221 : vector<16xi32>
          %eq3A_223 = vector.broadcast %sub3A_185 : i32 to vector<16xi32>
          %eq3A_224 = arith.cmpi eq, %get3A_212, %eq3A_223 : vector<16xi32>
          %and3A_225 = arith.andi %eq3A_224, %lt3A_222 : vector<16xi1>
          %and3A_226 = arith.andi %and3A_225, %ge3A_188 : vector<16xi1>
          %shift_right_arithmetic3A_227 = arith.constant 10 : i32
          %shift_right_arithmetic3A_228 = vector.broadcast %shift_right_arithmetic3A_227 : i32 to vector<16xi32>
          %shift_right_arithmetic3A_229 = arith.shrsi %get3A_216, %shift_right_arithmetic3A_228 : vector<16xi32>
          %add3A_230 = vector.broadcast %mul3A_133 : i32 to vector<16xi32>
          %add3A_231 = arith.addi %add3A_230, %shift_right_arithmetic3A_229 : vector<16xi32>
          %and3A_232 = arith.constant 1023 : i32
          %and3A_233 = vector.broadcast %and3A_232 : i32 to vector<16xi32>
          %and3A_234 = arith.andi %get3A_216, %and3A_233 : vector<16xi32>
          tpu.vector_store_idx %arg9[%add3A_231, %and3A_234], %broadcast_in_dim3A_1 masked %and3A_226 : memref<96x1024xf32, #tpu.memory_space<vmem>>[vector<16xi32>, vector<16xi32>], vector<16xf32>, vector<16xi1>
        }
        %while3A_208 = arith.constant 1 : i32
        scf.for %while3A_209 = %while3A_206 to %while3A_202 step %while3A_208  : i32 {
          %mul3A_210 = arith.constant 16 : i32
          %mul3A_211 = arith.muli %while3A_209, %mul3A_210 : i32
          %get3A = arith.index_cast %mul3A_211 : i32 to index
          %get3A_212 = tpu.vector_load %arg7[%get3A] {strides = array<i32>} : memref<1040xi32, #tpu.memory_space<vmem>>, vector<16xi32>,
          %mul3A_213 = arith.constant 16 : i32
          %mul3A_214 = arith.muli %while3A_209, %mul3A_213 : i32
          %get3A_215 = arith.index_cast %mul3A_214 : i32 to index
          %get3A_216 = tpu.vector_load %arg8[%get3A_215] {strides = array<i32>} : memref<1040xi32, #tpu.memory_space<vmem>>, vector<16xi32>,
          %mul3A_217 = arith.constant 16 : i32
          %mul3A_218 = arith.muli %while3A_209, %mul3A_217 : i32
          %add3A_219 = vector.broadcast %mul3A_218 : i32 to vector<16xi32>
          %add3A_220 = arith.addi %add3A_219, %iota3A : vector<16xi32>
          %lt3A_221 = vector.broadcast %scan3A_15#1 : i32 to vector<16xi32>
          %lt3A_222 = arith.cmpi slt, %add3A_220, %lt3A_221 : vector<16xi32>
          %eq3A_223 = vector.broadcast %sub3A_185 : i32 to vector<16xi32>
          %eq3A_224 = arith.cmpi eq, %get3A_212, %eq3A_223 : vector<16xi32>
          %and3A_225 = arith.andi %eq3A_224, %lt3A_222 : vector<16xi1>
          %and3A_226 = arith.andi %and3A_225, %ge3A_188 : vector<16xi1>
          %shift_right_arithmetic3A_227 = arith.constant 10 : i32
          %shift_right_arithmetic3A_228 = vector.broadcast %shift_right_arithmetic3A_227 : i32 to vector<16xi32>
          %shift_right_arithmetic3A_229 = arith.shrsi %get3A_216, %shift_right_arithmetic3A_228 : vector<16xi32>
          %add3A_230 = vector.broadcast %mul3A_133 : i32 to vector<16xi32>
          %add3A_231 = arith.addi %add3A_230, %shift_right_arithmetic3A_229 : vector<16xi32>
          %and3A_232 = arith.constant 1023 : i32
          %and3A_233 = vector.broadcast %and3A_232 : i32 to vector<16xi32>
          %and3A_234 = arith.andi %get3A_216, %and3A_233 : vector<16xi32>
          tpu.vector_store_idx %arg9[%add3A_231, %and3A_234], %broadcast_in_dim3A_1 masked %and3A_226 : memref<96x1024xf32, #tpu.memory_space<vmem>>[vector<16xi32>, vector<16xi32>], vector<16xf32>, vector<16xi1>
        }
      } else {
      }
      %ge3A_143 = arith.constant 0 : i32
      %ge3A_144 = vector.broadcast %ge3A_143 : i32 to vector<16xi32>
      %ge3A_145 = arith.cmpi sge, %iota3A, %ge3A_144 : vector<16xi32>
      %while3A = arith.constant 0 : i32
      %while3A_146 = arith.constant 0 : i32
      %while3A_147 = arith.subi %shift_right_arithmetic3A_21, %while3A_146 : i32
      %while3A_148 = arith.addi %while3A_146, %while3A_147 : i32
      %while3A_149 = arith.constant 1 : i32
      %while3A_150 = arith.divsi %while3A_147, %while3A_149 : i32
      %while3A_151 = arith.muli %while3A_150, %while3A_149 : i32
      %while3A_152 = arith.addi %while3A_146, %while3A_151 : i32
      %while3A_153 = arith.constant 1 : i32
      scf.for %while3A_174 = %while3A_146 to %while3A_152 step %while3A_153  : i32 {
        %mul3A_175 = arith.constant 16 : i32
        %mul3A_176 = arith.muli %while3A_174, %mul3A_175 : i32
        %get3A = arith.index_cast %mul3A_176 : i32 to index
        %get3A_177 = tpu.vector_load %arg5[%get3A] {strides = array<i32>} : memref<1040xi32, #tpu.memory_space<vmem>>, vector<16xi32>,
        %mul3A_178 = arith.constant 16 : i32
        %mul3A_179 = arith.muli %while3A_174, %mul3A_178 : i32
        %get3A_180 = arith.index_cast %mul3A_179 : i32 to index
        %get3A_181 = tpu.vector_load %arg6[%get3A_180] {strides = array<i32>} : memref<1040xi32, #tpu.memory_space<vmem>>, vector<16xi32>,
        %mul3A_182 = arith.constant 16 : i32
        %mul3A_183 = arith.muli %while3A_174, %mul3A_182 : i32
        %add3A_184 = vector.broadcast %mul3A_183 : i32 to vector<16xi32>
        %add3A_185 = arith.addi %add3A_184, %iota3A : vector<16xi32>
        %lt3A_186 = vector.broadcast %scan3A_15#0 : i32 to vector<16xi32>
        %lt3A_187 = arith.cmpi slt, %add3A_185, %lt3A_186 : vector<16xi32>
        %eq3A_188 = vector.broadcast %add3A_110 : i32 to vector<16xi32>
        %eq3A_189 = arith.cmpi eq, %get3A_177, %eq3A_188 : vector<16xi32>
        %and3A_190 = arith.andi %eq3A_189, %lt3A_187 : vector<16xi1>
        %and3A_191 = arith.andi %and3A_190, %ge3A_145 : vector<16xi1>
        %shift_right_arithmetic3A_192 = arith.constant 10 : i32
        %shift_right_arithmetic3A_193 = vector.broadcast %shift_right_arithmetic3A_192 : i32 to vector<16xi32>
        %shift_right_arithmetic3A_194 = arith.shrsi %get3A_181, %shift_right_arithmetic3A_193 : vector<16xi32>
        %add3A_195 = vector.broadcast %mul3A_133 : i32 to vector<16xi32>
        %add3A_196 = arith.addi %add3A_195, %shift_right_arithmetic3A_194 : vector<16xi32>
        %and3A_197 = arith.constant 1023 : i32
        %and3A_198 = vector.broadcast %and3A_197 : i32 to vector<16xi32>
        %and3A_199 = arith.andi %get3A_181, %and3A_198 : vector<16xi32>
        tpu.vector_store_idx %arg9[%add3A_196, %and3A_199], %broadcast_in_dim3A_3 masked %and3A_191 {add = true} : memref<96x1024xf32, #tpu.memory_space<vmem>>[vector<16xi32>, vector<16xi32>], vector<16xf32>, vector<16xi1>
      }
      %while3A_154 = arith.constant 1 : i32
      scf.for %while3A_174 = %while3A_152 to %while3A_148 step %while3A_154  : i32 {
        %mul3A_175 = arith.constant 16 : i32
        %mul3A_176 = arith.muli %while3A_174, %mul3A_175 : i32
        %get3A = arith.index_cast %mul3A_176 : i32 to index
        %get3A_177 = tpu.vector_load %arg5[%get3A] {strides = array<i32>} : memref<1040xi32, #tpu.memory_space<vmem>>, vector<16xi32>,
        %mul3A_178 = arith.constant 16 : i32
        %mul3A_179 = arith.muli %while3A_174, %mul3A_178 : i32
        %get3A_180 = arith.index_cast %mul3A_179 : i32 to index
        %get3A_181 = tpu.vector_load %arg6[%get3A_180] {strides = array<i32>} : memref<1040xi32, #tpu.memory_space<vmem>>, vector<16xi32>,
        %mul3A_182 = arith.constant 16 : i32
        %mul3A_183 = arith.muli %while3A_174, %mul3A_182 : i32
        %add3A_184 = vector.broadcast %mul3A_183 : i32 to vector<16xi32>
        %add3A_185 = arith.addi %add3A_184, %iota3A : vector<16xi32>
        %lt3A_186 = vector.broadcast %scan3A_15#0 : i32 to vector<16xi32>
        %lt3A_187 = arith.cmpi slt, %add3A_185, %lt3A_186 : vector<16xi32>
        %eq3A_188 = vector.broadcast %add3A_110 : i32 to vector<16xi32>
        %eq3A_189 = arith.cmpi eq, %get3A_177, %eq3A_188 : vector<16xi32>
        %and3A_190 = arith.andi %eq3A_189, %lt3A_187 : vector<16xi1>
        %and3A_191 = arith.andi %and3A_190, %ge3A_145 : vector<16xi1>
        %shift_right_arithmetic3A_192 = arith.constant 10 : i32
        %shift_right_arithmetic3A_193 = vector.broadcast %shift_right_arithmetic3A_192 : i32 to vector<16xi32>
        %shift_right_arithmetic3A_194 = arith.shrsi %get3A_181, %shift_right_arithmetic3A_193 : vector<16xi32>
        %add3A_195 = vector.broadcast %mul3A_133 : i32 to vector<16xi32>
        %add3A_196 = arith.addi %add3A_195, %shift_right_arithmetic3A_194 : vector<16xi32>
        %and3A_197 = arith.constant 1023 : i32
        %and3A_198 = vector.broadcast %and3A_197 : i32 to vector<16xi32>
        %and3A_199 = arith.andi %get3A_181, %and3A_198 : vector<16xi32>
        tpu.vector_store_idx %arg9[%add3A_196, %and3A_199], %broadcast_in_dim3A_3 masked %and3A_191 {add = true} : memref<96x1024xf32, #tpu.memory_space<vmem>>[vector<16xi32>, vector<16xi32>], vector<16xf32>, vector<16xi1>
      }
      %while3A_155 = arith.constant 0 : i32
      %while3A_156 = arith.constant 0 : i32
      %while3A_157 = arith.subi %shift_right_arithmetic3A_27, %while3A_156 : i32
      %while3A_158 = arith.addi %while3A_156, %while3A_157 : i32
      %while3A_159 = arith.constant 1 : i32
      %while3A_160 = arith.divsi %while3A_157, %while3A_159 : i32
      %while3A_161 = arith.muli %while3A_160, %while3A_159 : i32
      %while3A_162 = arith.addi %while3A_156, %while3A_161 : i32
      %while3A_163 = arith.constant 1 : i32
      scf.for %while3A_174 = %while3A_156 to %while3A_162 step %while3A_163  : i32 {
        %mul3A_175 = arith.constant 16 : i32
        %mul3A_176 = arith.muli %while3A_174, %mul3A_175 : i32
        %get3A = arith.index_cast %mul3A_176 : i32 to index
        %get3A_177 = tpu.vector_load %arg7[%get3A] {strides = array<i32>} : memref<1040xi32, #tpu.memory_space<vmem>>, vector<16xi32>,
        %mul3A_178 = arith.constant 16 : i32
        %mul3A_179 = arith.muli %while3A_174, %mul3A_178 : i32
        %get3A_180 = arith.index_cast %mul3A_179 : i32 to index
        %get3A_181 = tpu.vector_load %arg8[%get3A_180] {strides = array<i32>} : memref<1040xi32, #tpu.memory_space<vmem>>, vector<16xi32>,
        %mul3A_182 = arith.constant 16 : i32
        %mul3A_183 = arith.muli %while3A_174, %mul3A_182 : i32
        %add3A_184 = vector.broadcast %mul3A_183 : i32 to vector<16xi32>
        %add3A_185 = arith.addi %add3A_184, %iota3A : vector<16xi32>
        %lt3A_186 = vector.broadcast %scan3A_15#1 : i32 to vector<16xi32>
        %lt3A_187 = arith.cmpi slt, %add3A_185, %lt3A_186 : vector<16xi32>
        %eq3A_188 = vector.broadcast %add3A_110 : i32 to vector<16xi32>
        %eq3A_189 = arith.cmpi eq, %get3A_177, %eq3A_188 : vector<16xi32>
        %and3A_190 = arith.andi %eq3A_189, %lt3A_187 : vector<16xi1>
        %and3A_191 = arith.andi %and3A_190, %ge3A_145 : vector<16xi1>
        %shift_right_arithmetic3A_192 = arith.constant 10 : i32
        %shift_right_arithmetic3A_193 = vector.broadcast %shift_right_arithmetic3A_192 : i32 to vector<16xi32>
        %shift_right_arithmetic3A_194 = arith.shrsi %get3A_181, %shift_right_arithmetic3A_193 : vector<16xi32>
        %add3A_195 = vector.broadcast %mul3A_133 : i32 to vector<16xi32>
        %add3A_196 = arith.addi %add3A_195, %shift_right_arithmetic3A_194 : vector<16xi32>
        %and3A_197 = arith.constant 1023 : i32
        %and3A_198 = vector.broadcast %and3A_197 : i32 to vector<16xi32>
        %and3A_199 = arith.andi %get3A_181, %and3A_198 : vector<16xi32>
        tpu.vector_store_idx %arg9[%add3A_196, %and3A_199], %broadcast_in_dim3A_3 masked %and3A_191 {add = true} : memref<96x1024xf32, #tpu.memory_space<vmem>>[vector<16xi32>, vector<16xi32>], vector<16xf32>, vector<16xi1>
      }
      %while3A_164 = arith.constant 1 : i32
      scf.for %while3A_174 = %while3A_162 to %while3A_158 step %while3A_164  : i32 {
        %mul3A_175 = arith.constant 16 : i32
        %mul3A_176 = arith.muli %while3A_174, %mul3A_175 : i32
        %get3A = arith.index_cast %mul3A_176 : i32 to index
        %get3A_177 = tpu.vector_load %arg7[%get3A] {strides = array<i32>} : memref<1040xi32, #tpu.memory_space<vmem>>, vector<16xi32>,
        %mul3A_178 = arith.constant 16 : i32
        %mul3A_179 = arith.muli %while3A_174, %mul3A_178 : i32
        %get3A_180 = arith.index_cast %mul3A_179 : i32 to index
        %get3A_181 = tpu.vector_load %arg8[%get3A_180] {strides = array<i32>} : memref<1040xi32, #tpu.memory_space<vmem>>, vector<16xi32>,
        %mul3A_182 = arith.constant 16 : i32
        %mul3A_183 = arith.muli %while3A_174, %mul3A_182 : i32
        %add3A_184 = vector.broadcast %mul3A_183 : i32 to vector<16xi32>
        %add3A_185 = arith.addi %add3A_184, %iota3A : vector<16xi32>
        %lt3A_186 = vector.broadcast %scan3A_15#1 : i32 to vector<16xi32>
        %lt3A_187 = arith.cmpi slt, %add3A_185, %lt3A_186 : vector<16xi32>
        %eq3A_188 = vector.broadcast %add3A_110 : i32 to vector<16xi32>
        %eq3A_189 = arith.cmpi eq, %get3A_177, %eq3A_188 : vector<16xi32>
        %and3A_190 = arith.andi %eq3A_189, %lt3A_187 : vector<16xi1>
        %and3A_191 = arith.andi %and3A_190, %ge3A_145 : vector<16xi1>
        %shift_right_arithmetic3A_192 = arith.constant 10 : i32
        %shift_right_arithmetic3A_193 = vector.broadcast %shift_right_arithmetic3A_192 : i32 to vector<16xi32>
        %shift_right_arithmetic3A_194 = arith.shrsi %get3A_181, %shift_right_arithmetic3A_193 : vector<16xi32>
        %add3A_195 = vector.broadcast %mul3A_133 : i32 to vector<16xi32>
        %add3A_196 = arith.addi %add3A_195, %shift_right_arithmetic3A_194 : vector<16xi32>
        %and3A_197 = arith.constant 1023 : i32
        %and3A_198 = vector.broadcast %and3A_197 : i32 to vector<16xi32>
        %and3A_199 = arith.andi %get3A_181, %and3A_198 : vector<16xi32>
        tpu.vector_store_idx %arg9[%add3A_196, %and3A_199], %broadcast_in_dim3A_3 masked %and3A_191 {add = true} : memref<96x1024xf32, #tpu.memory_space<vmem>>[vector<16xi32>, vector<16xi32>], vector<16xf32>, vector<16xi1>
      }
      %mul3A_165 = arith.constant 16 : i32
      %mul3A_166 = arith.muli %add3A_110, %mul3A_165 : i32
      %dma_start3A = arith.constant 0 : i32
      %dma_start3A_167 = tpu.memref_slice %arg9[%mul3A_133, %dma_start3A] : memref<96x1024xf32, #tpu.memory_space<vmem>> -> memref<16x1024xf32, #tpu.memory_space<vmem>>
      %dma_start3A_168 = arith.constant 0 : i32
      %dma_start3A_169 = tpu.memref_slice %arg3[%mul3A_166, %dma_start3A_168] : memref<100000x1024xf32, #tpu.memory_space<hbm>> -> memref<16x1024xf32, #tpu.memory_space<hbm>>
      %dma_start3A_170 = arith.constant 0 : i32
      %dma_start3A_171 = tpu.memref_slice %arg3[%mul3A_166, %dma_start3A_170] : memref<100000x1024xf32, #tpu.memory_space<hbm>> -> memref<16x1024xf32, #tpu.memory_space<hbm>>
      %dma_start3A_172 = arith.constant 0 : i32
      %dma_start3A_173 = tpu.memref_slice %arg9[%mul3A_133, %dma_start3A_172] : memref<96x1024xf32, #tpu.memory_space<vmem>> -> memref<16x1024xf32, #tpu.memory_space<vmem>>
      tpu.enqueue_dma source(%dma_start3A_173 : memref<16x1024xf32, #tpu.memory_space<vmem>>) target(%dma_start3A_171 : memref<16x1024xf32, #tpu.memory_space<hbm>>) target_semaphore(%arg10 : memref<!tpu.dma_semaphore, #tpu.memory_space<semaphore_mem>>)
    }
    %scan3A_33 = arith.constant 195 : i32
    %dma_wait3A = arith.constant 0 : i32
    %dma_wait3A_34 = arith.constant 0 : i32
    %dma_wait3A_35 = tpu.memref_slice %arg9[%dma_wait3A, %dma_wait3A_34] : memref<96x1024xf32, #tpu.memory_space<vmem>> -> memref<16x1024xf32, #tpu.memory_space<vmem>>
    %dma_wait3A_36 = arith.constant 0 : i32
    %dma_wait3A_37 = arith.constant 0 : i32
    %dma_wait3A_38 = tpu.memref_slice %arg3[%dma_wait3A_36, %dma_wait3A_37] : memref<100000x1024xf32, #tpu.memory_space<hbm>> -> memref<16x1024xf32, #tpu.memory_space<hbm>>
    %dma_wait3A_39 = arith.constant 0 : i32
    %dma_wait3A_40 = arith.constant 0 : i32
    %dma_wait3A_41 = tpu.memref_slice %arg3[%dma_wait3A_39, %dma_wait3A_40] : memref<100000x1024xf32, #tpu.memory_space<hbm>> -> memref<16x1024xf32, #tpu.memory_space<hbm>>
    %dma_wait3A_42 = arith.constant 0 : i32
    %dma_wait3A_43 = arith.constant 0 : i32
    %dma_wait3A_44 = tpu.memref_slice %arg9[%dma_wait3A_42, %dma_wait3A_43] : memref<96x1024xf32, #tpu.memory_space<vmem>> -> memref<16x1024xf32, #tpu.memory_space<vmem>>
    tpu.wait_dma2 semaphore(%arg10 : memref<!tpu.dma_semaphore, #tpu.memory_space<semaphore_mem>>) src(%dma_wait3A_44 : memref<16x1024xf32, #tpu.memory_space<vmem>>) dst(%dma_wait3A_41 : memref<16x1024xf32, #tpu.memory_space<hbm>>)
    %dma_wait3A_45 = arith.constant 0 : i32
    %dma_wait3A_46 = arith.constant 0 : i32
    %dma_wait3A_47 = tpu.memref_slice %arg9[%dma_wait3A_45, %dma_wait3A_46] : memref<96x1024xf32, #tpu.memory_space<vmem>> -> memref<16x1024xf32, #tpu.memory_space<vmem>>
    %dma_wait3A_48 = arith.constant 0 : i32
    %dma_wait3A_49 = arith.constant 0 : i32
    %dma_wait3A_50 = tpu.memref_slice %arg3[%dma_wait3A_48, %dma_wait3A_49] : memref<100000x1024xf32, #tpu.memory_space<hbm>> -> memref<16x1024xf32, #tpu.memory_space<hbm>>
    %dma_wait3A_51 = arith.constant 0 : i32
    %dma_wait3A_52 = arith.constant 0 : i32
    %dma_wait3A_53 = tpu.memref_slice %arg3[%dma_wait3A_51, %dma_wait3A_52] : memref<100000x1024xf32, #tpu.memory_space<hbm>> -> memref<16x1024xf32, #tpu.memory_space<hbm>>
    %dma_wait3A_54 = arith.constant 0 : i32
    %dma_wait3A_55 = arith.constant 0 : i32
    %dma_wait3A_56 = tpu.memref_slice %arg9[%dma_wait3A_54, %dma_wait3A_55] : memref<96x1024xf32, #tpu.memory_space<vmem>> -> memref<16x1024xf32, #tpu.memory_space<vmem>>
    tpu.wait_dma2 semaphore(%arg10 : memref<!tpu.dma_semaphore, #tpu.memory_space<semaphore_mem>>) src(%dma_wait3A_56 : memref<16x1024xf32, #tpu.memory_space<vmem>>) dst(%dma_wait3A_53 : memref<16x1024xf32, #tpu.memory_space<hbm>>)
    %dma_wait3A_57 = arith.constant 0 : i32
    %dma_wait3A_58 = arith.constant 0 : i32
    %dma_wait3A_59 = tpu.memref_slice %arg9[%dma_wait3A_57, %dma_wait3A_58] : memref<96x1024xf32, #tpu.memory_space<vmem>> -> memref<16x1024xf32, #tpu.memory_space<vmem>>
    %dma_wait3A_60 = arith.constant 0 : i32
    %dma_wait3A_61 = arith.constant 0 : i32
    %dma_wait3A_62 = tpu.memref_slice %arg3[%dma_wait3A_60, %dma_wait3A_61] : memref<100000x1024xf32, #tpu.memory_space<hbm>> -> memref<16x1024xf32, #tpu.memory_space<hbm>>
    %dma_wait3A_63 = arith.constant 0 : i32
    %dma_wait3A_64 = arith.constant 0 : i32
    %dma_wait3A_65 = tpu.memref_slice %arg3[%dma_wait3A_63, %dma_wait3A_64] : memref<100000x1024xf32, #tpu.memory_space<hbm>> -> memref<16x1024xf32, #tpu.memory_space<hbm>>
    %dma_wait3A_66 = arith.constant 0 : i32
    %dma_wait3A_67 = arith.constant 0 : i32
    %dma_wait3A_68 = tpu.memref_slice %arg9[%dma_wait3A_66, %dma_wait3A_67] : memref<96x1024xf32, #tpu.memory_space<vmem>> -> memref<16x1024xf32, #tpu.memory_space<vmem>>
    tpu.wait_dma2 semaphore(%arg10 : memref<!tpu.dma_semaphore, #tpu.memory_space<semaphore_mem>>) src(%dma_wait3A_68 : memref<16x1024xf32, #tpu.memory_space<vmem>>) dst(%dma_wait3A_65 : memref<16x1024xf32, #tpu.memory_space<hbm>>)
    %dma_wait3A_69 = arith.constant 0 : i32
    %dma_wait3A_70 = arith.constant 0 : i32
    %dma_wait3A_71 = tpu.memref_slice %arg9[%dma_wait3A_69, %dma_wait3A_70] : memref<96x1024xf32, #tpu.memory_space<vmem>> -> memref<16x1024xf32, #tpu.memory_space<vmem>>
    %dma_wait3A_72 = arith.constant 0 : i32
    %dma_wait3A_73 = arith.constant 0 : i32
    %dma_wait3A_74 = tpu.memref_slice %arg3[%dma_wait3A_72, %dma_wait3A_73] : memref<100000x1024xf32, #tpu.memory_space<hbm>> -> memref<16x1024xf32, #tpu.memory_space<hbm>>
    %dma_wait3A_75 = arith.constant 0 : i32
    %dma_wait3A_76 = arith.constant 0 : i32
    %dma_wait3A_77 = tpu.memref_slice %arg3[%dma_wait3A_75, %dma_wait3A_76] : memref<100000x1024xf32, #tpu.memory_space<hbm>> -> memref<16x1024xf32, #tpu.memory_space<hbm>>
    %dma_wait3A_78 = arith.constant 0 : i32
    %dma_wait3A_79 = arith.constant 0 : i32
    %dma_wait3A_80 = tpu.memref_slice %arg9[%dma_wait3A_78, %dma_wait3A_79] : memref<96x1024xf32, #tpu.memory_space<vmem>> -> memref<16x1024xf32, #tpu.memory_space<vmem>>
    tpu.wait_dma2 semaphore(%arg10 : memref<!tpu.dma_semaphore, #tpu.memory_space<semaphore_mem>>) src(%dma_wait3A_80 : memref<16x1024xf32, #tpu.memory_space<vmem>>) dst(%dma_wait3A_77 : memref<16x1024xf32, #tpu.memory_space<hbm>>)
    %dma_wait3A_81 = arith.constant 0 : i32
    %dma_wait3A_82 = arith.constant 0 : i32
    %dma_wait3A_83 = tpu.memref_slice %arg9[%dma_wait3A_81, %dma_wait3A_82] : memref<96x1024xf32, #tpu.memory_space<vmem>> -> memref<16x1024xf32, #tpu.memory_space<vmem>>
    %dma_wait3A_84 = arith.constant 0 : i32
    %dma_wait3A_85 = arith.constant 0 : i32
    %dma_wait3A_86 = tpu.memref_slice %arg3[%dma_wait3A_84, %dma_wait3A_85] : memref<100000x1024xf32, #tpu.memory_space<hbm>> -> memref<16x1024xf32, #tpu.memory_space<hbm>>
    %dma_wait3A_87 = arith.constant 0 : i32
    %dma_wait3A_88 = arith.constant 0 : i32
    %dma_wait3A_89 = tpu.memref_slice %arg3[%dma_wait3A_87, %dma_wait3A_88] : memref<100000x1024xf32, #tpu.memory_space<hbm>> -> memref<16x1024xf32, #tpu.memory_space<hbm>>
    %dma_wait3A_90 = arith.constant 0 : i32
    %dma_wait3A_91 = arith.constant 0 : i32
    %dma_wait3A_92 = tpu.memref_slice %arg9[%dma_wait3A_90, %dma_wait3A_91] : memref<96x1024xf32, #tpu.memory_space<vmem>> -> memref<16x1024xf32, #tpu.memory_space<vmem>>
    tpu.wait_dma2 semaphore(%arg10 : memref<!tpu.dma_semaphore, #tpu.memory_space<semaphore_mem>>) src(%dma_wait3A_92 : memref<16x1024xf32, #tpu.memory_space<vmem>>) dst(%dma_wait3A_89 : memref<16x1024xf32, #tpu.memory_space<hbm>>)
    %dma_wait3A_93 = arith.constant 0 : i32
    %dma_wait3A_94 = arith.constant 0 : i32
    %dma_wait3A_95 = tpu.memref_slice %arg9[%dma_wait3A_93, %dma_wait3A_94] : memref<96x1024xf32, #tpu.memory_space<vmem>> -> memref<16x1024xf32, #tpu.memory_space<vmem>>
    %dma_wait3A_96 = arith.constant 0 : i32
    %dma_wait3A_97 = arith.constant 0 : i32
    %dma_wait3A_98 = tpu.memref_slice %arg3[%dma_wait3A_96, %dma_wait3A_97] : memref<100000x1024xf32, #tpu.memory_space<hbm>> -> memref<16x1024xf32, #tpu.memory_space<hbm>>
    %dma_wait3A_99 = arith.constant 0 : i32
    %dma_wait3A_100 = arith.constant 0 : i32
    %dma_wait3A_101 = tpu.memref_slice %arg3[%dma_wait3A_99, %dma_wait3A_100] : memref<100000x1024xf32, #tpu.memory_space<hbm>> -> memref<16x1024xf32, #tpu.memory_space<hbm>>
    %dma_wait3A_102 = arith.constant 0 : i32
    %dma_wait3A_103 = arith.constant 0 : i32
    %dma_wait3A_104 = tpu.memref_slice %arg9[%dma_wait3A_102, %dma_wait3A_103] : memref<96x1024xf32, #tpu.memory_space<vmem>> -> memref<16x1024xf32, #tpu.memory_space<vmem>>
    tpu.wait_dma2 semaphore(%arg10 : memref<!tpu.dma_semaphore, #tpu.memory_space<semaphore_mem>>) src(%dma_wait3A_104 : memref<16x1024xf32, #tpu.memory_space<vmem>>) dst(%dma_wait3A_101 : memref<16x1024xf32, #tpu.memory_space<hbm>>)
    %lt3A = arith.constant 10 : i32
    %lt3A_105 = arith.cmpi slt, %add3A, %lt3A : i32
    %convert_element_type3A = arith.extui %lt3A_105 : i1 to i32
    %cond3A = arith.constant 0 : i32
    %cond3A_106 = arith.cmpi ne, %convert_element_type3A, %cond3A : i32
    scf.if %cond3A_106 {
      %add3A_107 = arith.constant 6240 : i32
      %add3A_108 = arith.addi %add3A_107, %add3A : i32
      %add3A_109 = arith.constant 6048 : i32
      %add3A_110 = arith.addi %add3A, %add3A_109 : i32
      %ge3A = arith.constant 0 : i32
      %ge3A_111 = vector.broadcast %ge3A : i32 to vector<16xi32>
      %ge3A_112 = arith.cmpi sge, %iota3A, %ge3A_111 : vector<16xi32>
      %while3A = arith.constant 0 : i32
      %while3A_113 = arith.constant 0 : i32
      %while3A_114 = arith.subi %shift_right_arithmetic3A_21, %while3A_113 : i32
      %while3A_115 = arith.addi %while3A_113, %while3A_114 : i32
      %while3A_116 = arith.constant 1 : i32
      %while3A_117 = arith.divsi %while3A_114, %while3A_116 : i32
      %while3A_118 = arith.muli %while3A_117, %while3A_116 : i32
      %while3A_119 = arith.addi %while3A_113, %while3A_118 : i32
      %while3A_120 = arith.constant 1 : i32
      scf.for %while3A_157 = %while3A_113 to %while3A_119 step %while3A_120  : i32 {
        %mul3A_158 = arith.constant 16 : i32
        %mul3A_159 = arith.muli %while3A_157, %mul3A_158 : i32
        %get3A = arith.index_cast %mul3A_159 : i32 to index
        %get3A_160 = tpu.vector_load %arg5[%get3A] {strides = array<i32>} : memref<1040xi32, #tpu.memory_space<vmem>>, vector<16xi32>,
        %mul3A_161 = arith.constant 16 : i32
        %mul3A_162 = arith.muli %while3A_157, %mul3A_161 : i32
        %get3A_163 = arith.index_cast %mul3A_162 : i32 to index
        %get3A_164 = tpu.vector_load %arg6[%get3A_163] {strides = array<i32>} : memref<1040xi32, #tpu.memory_space<vmem>>, vector<16xi32>,
        %mul3A_165 = arith.constant 16 : i32
        %mul3A_166 = arith.muli %while3A_157, %mul3A_165 : i32
        %add3A_167 = vector.broadcast %mul3A_166 : i32 to vector<16xi32>
        %add3A_168 = arith.addi %add3A_167, %iota3A : vector<16xi32>
        %lt3A_169 = vector.broadcast %scan3A_15#0 : i32 to vector<16xi32>
        %lt3A_170 = arith.cmpi slt, %add3A_168, %lt3A_169 : vector<16xi32>
        %eq3A_171 = vector.broadcast %add3A_110 : i32 to vector<16xi32>
        %eq3A_172 = arith.cmpi eq, %get3A_160, %eq3A_171 : vector<16xi32>
        %and3A_173 = arith.andi %eq3A_172, %lt3A_170 : vector<16xi1>
        %and3A_174 = arith.andi %and3A_173, %ge3A_112 : vector<16xi1>
        %shift_right_arithmetic3A_175 = arith.constant 10 : i32
        %shift_right_arithmetic3A_176 = vector.broadcast %shift_right_arithmetic3A_175 : i32 to vector<16xi32>
        %shift_right_arithmetic3A_177 = arith.shrsi %get3A_164, %shift_right_arithmetic3A_176 : vector<16xi32>
        %add3A_178 = arith.constant 48 : i32
        %add3A_179 = vector.broadcast %add3A_178 : i32 to vector<16xi32>
        %add3A_180 = arith.addi %add3A_179, %shift_right_arithmetic3A_177 : vector<16xi32>
        %and3A_181 = arith.constant 1023 : i32
        %and3A_182 = vector.broadcast %and3A_181 : i32 to vector<16xi32>
        %and3A_183 = arith.andi %get3A_164, %and3A_182 : vector<16xi32>
        tpu.vector_store_idx %arg9[%add3A_180, %and3A_183], %broadcast_in_dim3A_1 masked %and3A_174 : memref<96x1024xf32, #tpu.memory_space<vmem>>[vector<16xi32>, vector<16xi32>], vector<16xf32>, vector<16xi1>
      }
      %while3A_121 = arith.constant 1 : i32
      scf.for %while3A_157 = %while3A_119 to %while3A_115 step %while3A_121  : i32 {
        %mul3A_158 = arith.constant 16 : i32
        %mul3A_159 = arith.muli %while3A_157, %mul3A_158 : i32
        %get3A = arith.index_cast %mul3A_159 : i32 to index
        %get3A_160 = tpu.vector_load %arg5[%get3A] {strides = array<i32>} : memref<1040xi32, #tpu.memory_space<vmem>>, vector<16xi32>,
        %mul3A_161 = arith.constant 16 : i32
        %mul3A_162 = arith.muli %while3A_157, %mul3A_161 : i32
        %get3A_163 = arith.index_cast %mul3A_162 : i32 to index
        %get3A_164 = tpu.vector_load %arg6[%get3A_163] {strides = array<i32>} : memref<1040xi32, #tpu.memory_space<vmem>>, vector<16xi32>,
        %mul3A_165 = arith.constant 16 : i32
        %mul3A_166 = arith.muli %while3A_157, %mul3A_165 : i32
        %add3A_167 = vector.broadcast %mul3A_166 : i32 to vector<16xi32>
        %add3A_168 = arith.addi %add3A_167, %iota3A : vector<16xi32>
        %lt3A_169 = vector.broadcast %scan3A_15#0 : i32 to vector<16xi32>
        %lt3A_170 = arith.cmpi slt, %add3A_168, %lt3A_169 : vector<16xi32>
        %eq3A_171 = vector.broadcast %add3A_110 : i32 to vector<16xi32>
        %eq3A_172 = arith.cmpi eq, %get3A_160, %eq3A_171 : vector<16xi32>
        %and3A_173 = arith.andi %eq3A_172, %lt3A_170 : vector<16xi1>
        %and3A_174 = arith.andi %and3A_173, %ge3A_112 : vector<16xi1>
        %shift_right_arithmetic3A_175 = arith.constant 10 : i32
        %shift_right_arithmetic3A_176 = vector.broadcast %shift_right_arithmetic3A_175 : i32 to vector<16xi32>
        %shift_right_arithmetic3A_177 = arith.shrsi %get3A_164, %shift_right_arithmetic3A_176 : vector<16xi32>
        %add3A_178 = arith.constant 48 : i32
        %add3A_179 = vector.broadcast %add3A_178 : i32 to vector<16xi32>
        %add3A_180 = arith.addi %add3A_179, %shift_right_arithmetic3A_177 : vector<16xi32>
        %and3A_181 = arith.constant 1023 : i32
        %and3A_182 = vector.broadcast %and3A_181 : i32 to vector<16xi32>
        %and3A_183 = arith.andi %get3A_164, %and3A_182 : vector<16xi32>
        tpu.vector_store_idx %arg9[%add3A_180, %and3A_183], %broadcast_in_dim3A_1 masked %and3A_174 : memref<96x1024xf32, #tpu.memory_space<vmem>>[vector<16xi32>, vector<16xi32>], vector<16xf32>, vector<16xi1>
      }
      %while3A_122 = arith.constant 0 : i32
      %while3A_123 = arith.constant 0 : i32
      %while3A_124 = arith.subi %shift_right_arithmetic3A_27, %while3A_123 : i32
      %while3A_125 = arith.addi %while3A_123, %while3A_124 : i32
      %while3A_126 = arith.constant 1 : i32
      %while3A_127 = arith.divsi %while3A_124, %while3A_126 : i32
      %while3A_128 = arith.muli %while3A_127, %while3A_126 : i32
      %while3A_129 = arith.addi %while3A_123, %while3A_128 : i32
      %while3A_130 = arith.constant 1 : i32
      scf.for %while3A_157 = %while3A_123 to %while3A_129 step %while3A_130  : i32 {
        %mul3A_158 = arith.constant 16 : i32
        %mul3A_159 = arith.muli %while3A_157, %mul3A_158 : i32
        %get3A = arith.index_cast %mul3A_159 : i32 to index
        %get3A_160 = tpu.vector_load %arg7[%get3A] {strides = array<i32>} : memref<1040xi32, #tpu.memory_space<vmem>>, vector<16xi32>,
        %mul3A_161 = arith.constant 16 : i32
        %mul3A_162 = arith.muli %while3A_157, %mul3A_161 : i32
        %get3A_163 = arith.index_cast %mul3A_162 : i32 to index
        %get3A_164 = tpu.vector_load %arg8[%get3A_163] {strides = array<i32>} : memref<1040xi32, #tpu.memory_space<vmem>>, vector<16xi32>,
        %mul3A_165 = arith.constant 16 : i32
        %mul3A_166 = arith.muli %while3A_157, %mul3A_165 : i32
        %add3A_167 = vector.broadcast %mul3A_166 : i32 to vector<16xi32>
        %add3A_168 = arith.addi %add3A_167, %iota3A : vector<16xi32>
        %lt3A_169 = vector.broadcast %scan3A_15#1 : i32 to vector<16xi32>
        %lt3A_170 = arith.cmpi slt, %add3A_168, %lt3A_169 : vector<16xi32>
        %eq3A_171 = vector.broadcast %add3A_110 : i32 to vector<16xi32>
        %eq3A_172 = arith.cmpi eq, %get3A_160, %eq3A_171 : vector<16xi32>
        %and3A_173 = arith.andi %eq3A_172, %lt3A_170 : vector<16xi1>
        %and3A_174 = arith.andi %and3A_173, %ge3A_112 : vector<16xi1>
        %shift_right_arithmetic3A_175 = arith.constant 10 : i32
        %shift_right_arithmetic3A_176 = vector.broadcast %shift_right_arithmetic3A_175 : i32 to vector<16xi32>
        %shift_right_arithmetic3A_177 = arith.shrsi %get3A_164, %shift_right_arithmetic3A_176 : vector<16xi32>
        %add3A_178 = arith.constant 48 : i32
        %add3A_179 = vector.broadcast %add3A_178 : i32 to vector<16xi32>
        %add3A_180 = arith.addi %add3A_179, %shift_right_arithmetic3A_177 : vector<16xi32>
        %and3A_181 = arith.constant 1023 : i32
        %and3A_182 = vector.broadcast %and3A_181 : i32 to vector<16xi32>
        %and3A_183 = arith.andi %get3A_164, %and3A_182 : vector<16xi32>
        tpu.vector_store_idx %arg9[%add3A_180, %and3A_183], %broadcast_in_dim3A_1 masked %and3A_174 : memref<96x1024xf32, #tpu.memory_space<vmem>>[vector<16xi32>, vector<16xi32>], vector<16xf32>, vector<16xi1>
      }
      %while3A_131 = arith.constant 1 : i32
      scf.for %while3A_157 = %while3A_129 to %while3A_125 step %while3A_131  : i32 {
        %mul3A_158 = arith.constant 16 : i32
        %mul3A_159 = arith.muli %while3A_157, %mul3A_158 : i32
        %get3A = arith.index_cast %mul3A_159 : i32 to index
        %get3A_160 = tpu.vector_load %arg7[%get3A] {strides = array<i32>} : memref<1040xi32, #tpu.memory_space<vmem>>, vector<16xi32>,
        %mul3A_161 = arith.constant 16 : i32
        %mul3A_162 = arith.muli %while3A_157, %mul3A_161 : i32
        %get3A_163 = arith.index_cast %mul3A_162 : i32 to index
        %get3A_164 = tpu.vector_load %arg8[%get3A_163] {strides = array<i32>} : memref<1040xi32, #tpu.memory_space<vmem>>, vector<16xi32>,
        %mul3A_165 = arith.constant 16 : i32
        %mul3A_166 = arith.muli %while3A_157, %mul3A_165 : i32
        %add3A_167 = vector.broadcast %mul3A_166 : i32 to vector<16xi32>
        %add3A_168 = arith.addi %add3A_167, %iota3A : vector<16xi32>
        %lt3A_169 = vector.broadcast %scan3A_15#1 : i32 to vector<16xi32>
        %lt3A_170 = arith.cmpi slt, %add3A_168, %lt3A_169 : vector<16xi32>
        %eq3A_171 = vector.broadcast %add3A_110 : i32 to vector<16xi32>
        %eq3A_172 = arith.cmpi eq, %get3A_160, %eq3A_171 : vector<16xi32>
        %and3A_173 = arith.andi %eq3A_172, %lt3A_170 : vector<16xi1>
        %and3A_174 = arith.andi %and3A_173, %ge3A_112 : vector<16xi1>
        %shift_right_arithmetic3A_175 = arith.constant 10 : i32
        %shift_right_arithmetic3A_176 = vector.broadcast %shift_right_arithmetic3A_175 : i32 to vector<16xi32>
        %shift_right_arithmetic3A_177 = arith.shrsi %get3A_164, %shift_right_arithmetic3A_176 : vector<16xi32>
        %add3A_178 = arith.constant 48 : i32
        %add3A_179 = vector.broadcast %add3A_178 : i32 to vector<16xi32>
        %add3A_180 = arith.addi %add3A_179, %shift_right_arithmetic3A_177 : vector<16xi32>
        %and3A_181 = arith.constant 1023 : i32
        %and3A_182 = vector.broadcast %and3A_181 : i32 to vector<16xi32>
        %and3A_183 = arith.andi %get3A_164, %and3A_182 : vector<16xi32>
        tpu.vector_store_idx %arg9[%add3A_180, %and3A_183], %broadcast_in_dim3A_1 masked %and3A_174 : memref<96x1024xf32, #tpu.memory_space<vmem>>[vector<16xi32>, vector<16xi32>], vector<16xf32>, vector<16xi1>
      }
      %ge3A_132 = arith.constant 0 : i32
      %ge3A_133 = vector.broadcast %ge3A_132 : i32 to vector<16xi32>
      %ge3A_134 = arith.cmpi sge, %iota3A, %ge3A_133 : vector<16xi32>
      %while3A_135 = arith.constant 0 : i32
      %while3A_136 = arith.constant 0 : i32
      %while3A_137 = arith.subi %shift_right_arithmetic3A_21, %while3A_136 : i32
      %while3A_138 = arith.addi %while3A_136, %while3A_137 : i32
      %while3A_139 = arith.constant 1 : i32
      %while3A_140 = arith.divsi %while3A_137, %while3A_139 : i32
      %while3A_141 = arith.muli %while3A_140, %while3A_139 : i32
      %while3A_142 = arith.addi %while3A_136, %while3A_141 : i32
      %while3A_143 = arith.constant 1 : i32
      scf.for %while3A_157 = %while3A_136 to %while3A_142 step %while3A_143  : i32 {
        %mul3A_158 = arith.constant 16 : i32
        %mul3A_159 = arith.muli %while3A_157, %mul3A_158 : i32
        %get3A = arith.index_cast %mul3A_159 : i32 to index
        %get3A_160 = tpu.vector_load %arg5[%get3A] {strides = array<i32>} : memref<1040xi32, #tpu.memory_space<vmem>>, vector<16xi32>,
        %mul3A_161 = arith.constant 16 : i32
        %mul3A_162 = arith.muli %while3A_157, %mul3A_161 : i32
        %get3A_163 = arith.index_cast %mul3A_162 : i32 to index
        %get3A_164 = tpu.vector_load %arg6[%get3A_163] {strides = array<i32>} : memref<1040xi32, #tpu.memory_space<vmem>>, vector<16xi32>,
        %mul3A_165 = arith.constant 16 : i32
        %mul3A_166 = arith.muli %while3A_157, %mul3A_165 : i32
        %add3A_167 = vector.broadcast %mul3A_166 : i32 to vector<16xi32>
        %add3A_168 = arith.addi %add3A_167, %iota3A : vector<16xi32>
        %lt3A_169 = vector.broadcast %scan3A_15#0 : i32 to vector<16xi32>
        %lt3A_170 = arith.cmpi slt, %add3A_168, %lt3A_169 : vector<16xi32>
        %eq3A_171 = vector.broadcast %add3A_108 : i32 to vector<16xi32>
        %eq3A_172 = arith.cmpi eq, %get3A_160, %eq3A_171 : vector<16xi32>
        %and3A_173 = arith.andi %eq3A_172, %lt3A_170 : vector<16xi1>
        %and3A_174 = arith.andi %and3A_173, %ge3A_134 : vector<16xi1>
        %shift_right_arithmetic3A_175 = arith.constant 10 : i32
        %shift_right_arithmetic3A_176 = vector.broadcast %shift_right_arithmetic3A_175 : i32 to vector<16xi32>
        %shift_right_arithmetic3A_177 = arith.shrsi %get3A_164, %shift_right_arithmetic3A_176 : vector<16xi32>
        %add3A_178 = arith.constant 48 : i32
        %add3A_179 = vector.broadcast %add3A_178 : i32 to vector<16xi32>
        %add3A_180 = arith.addi %add3A_179, %shift_right_arithmetic3A_177 : vector<16xi32>
        %and3A_181 = arith.constant 1023 : i32
        %and3A_182 = vector.broadcast %and3A_181 : i32 to vector<16xi32>
        %and3A_183 = arith.andi %get3A_164, %and3A_182 : vector<16xi32>
        tpu.vector_store_idx %arg9[%add3A_180, %and3A_183], %broadcast_in_dim3A_3 masked %and3A_174 {add = true} : memref<96x1024xf32, #tpu.memory_space<vmem>>[vector<16xi32>, vector<16xi32>], vector<16xf32>, vector<16xi1>
      }
      %while3A_144 = arith.constant 1 : i32
      scf.for %while3A_157 = %while3A_142 to %while3A_138 step %while3A_144  : i32 {
        %mul3A_158 = arith.constant 16 : i32
        %mul3A_159 = arith.muli %while3A_157, %mul3A_158 : i32
        %get3A = arith.index_cast %mul3A_159 : i32 to index
        %get3A_160 = tpu.vector_load %arg5[%get3A] {strides = array<i32>} : memref<1040xi32, #tpu.memory_space<vmem>>, vector<16xi32>,
        %mul3A_161 = arith.constant 16 : i32
        %mul3A_162 = arith.muli %while3A_157, %mul3A_161 : i32
        %get3A_163 = arith.index_cast %mul3A_162 : i32 to index
        %get3A_164 = tpu.vector_load %arg6[%get3A_163] {strides = array<i32>} : memref<1040xi32, #tpu.memory_space<vmem>>, vector<16xi32>,
        %mul3A_165 = arith.constant 16 : i32
        %mul3A_166 = arith.muli %while3A_157, %mul3A_165 : i32
        %add3A_167 = vector.broadcast %mul3A_166 : i32 to vector<16xi32>
        %add3A_168 = arith.addi %add3A_167, %iota3A : vector<16xi32>
        %lt3A_169 = vector.broadcast %scan3A_15#0 : i32 to vector<16xi32>
        %lt3A_170 = arith.cmpi slt, %add3A_168, %lt3A_169 : vector<16xi32>
        %eq3A_171 = vector.broadcast %add3A_108 : i32 to vector<16xi32>
        %eq3A_172 = arith.cmpi eq, %get3A_160, %eq3A_171 : vector<16xi32>
        %and3A_173 = arith.andi %eq3A_172, %lt3A_170 : vector<16xi1>
        %and3A_174 = arith.andi %and3A_173, %ge3A_134 : vector<16xi1>
        %shift_right_arithmetic3A_175 = arith.constant 10 : i32
        %shift_right_arithmetic3A_176 = vector.broadcast %shift_right_arithmetic3A_175 : i32 to vector<16xi32>
        %shift_right_arithmetic3A_177 = arith.shrsi %get3A_164, %shift_right_arithmetic3A_176 : vector<16xi32>
        %add3A_178 = arith.constant 48 : i32
        %add3A_179 = vector.broadcast %add3A_178 : i32 to vector<16xi32>
        %add3A_180 = arith.addi %add3A_179, %shift_right_arithmetic3A_177 : vector<16xi32>
        %and3A_181 = arith.constant 1023 : i32
        %and3A_182 = vector.broadcast %and3A_181 : i32 to vector<16xi32>
        %and3A_183 = arith.andi %get3A_164, %and3A_182 : vector<16xi32>
        tpu.vector_store_idx %arg9[%add3A_180, %and3A_183], %broadcast_in_dim3A_3 masked %and3A_174 {add = true} : memref<96x1024xf32, #tpu.memory_space<vmem>>[vector<16xi32>, vector<16xi32>], vector<16xf32>, vector<16xi1>
      }
      %while3A_145 = arith.constant 0 : i32
      %while3A_146 = arith.constant 0 : i32
      %while3A_147 = arith.subi %shift_right_arithmetic3A_27, %while3A_146 : i32
      %while3A_148 = arith.addi %while3A_146, %while3A_147 : i32
      %while3A_149 = arith.constant 1 : i32
      %while3A_150 = arith.divsi %while3A_147, %while3A_149 : i32
      %while3A_151 = arith.muli %while3A_150, %while3A_149 : i32
      %while3A_152 = arith.addi %while3A_146, %while3A_151 : i32
      %while3A_153 = arith.constant 1 : i32
      scf.for %while3A_157 = %while3A_146 to %while3A_152 step %while3A_153  : i32 {
        %mul3A_158 = arith.constant 16 : i32
        %mul3A_159 = arith.muli %while3A_157, %mul3A_158 : i32
        %get3A = arith.index_cast %mul3A_159 : i32 to index
        %get3A_160 = tpu.vector_load %arg7[%get3A] {strides = array<i32>} : memref<1040xi32, #tpu.memory_space<vmem>>, vector<16xi32>,
        %mul3A_161 = arith.constant 16 : i32
        %mul3A_162 = arith.muli %while3A_157, %mul3A_161 : i32
        %get3A_163 = arith.index_cast %mul3A_162 : i32 to index
        %get3A_164 = tpu.vector_load %arg8[%get3A_163] {strides = array<i32>} : memref<1040xi32, #tpu.memory_space<vmem>>, vector<16xi32>,
        %mul3A_165 = arith.constant 16 : i32
        %mul3A_166 = arith.muli %while3A_157, %mul3A_165 : i32
        %add3A_167 = vector.broadcast %mul3A_166 : i32 to vector<16xi32>
        %add3A_168 = arith.addi %add3A_167, %iota3A : vector<16xi32>
        %lt3A_169 = vector.broadcast %scan3A_15#1 : i32 to vector<16xi32>
        %lt3A_170 = arith.cmpi slt, %add3A_168, %lt3A_169 : vector<16xi32>
        %eq3A_171 = vector.broadcast %add3A_108 : i32 to vector<16xi32>
        %eq3A_172 = arith.cmpi eq, %get3A_160, %eq3A_171 : vector<16xi32>
        %and3A_173 = arith.andi %eq3A_172, %lt3A_170 : vector<16xi1>
        %and3A_174 = arith.andi %and3A_173, %ge3A_134 : vector<16xi1>
        %shift_right_arithmetic3A_175 = arith.constant 10 : i32
        %shift_right_arithmetic3A_176 = vector.broadcast %shift_right_arithmetic3A_175 : i32 to vector<16xi32>
        %shift_right_arithmetic3A_177 = arith.shrsi %get3A_164, %shift_right_arithmetic3A_176 : vector<16xi32>
        %add3A_178 = arith.constant 48 : i32
        %add3A_179 = vector.broadcast %add3A_178 : i32 to vector<16xi32>
        %add3A_180 = arith.addi %add3A_179, %shift_right_arithmetic3A_177 : vector<16xi32>
        %and3A_181 = arith.constant 1023 : i32
        %and3A_182 = vector.broadcast %and3A_181 : i32 to vector<16xi32>
        %and3A_183 = arith.andi %get3A_164, %and3A_182 : vector<16xi32>
        tpu.vector_store_idx %arg9[%add3A_180, %and3A_183], %broadcast_in_dim3A_3 masked %and3A_174 {add = true} : memref<96x1024xf32, #tpu.memory_space<vmem>>[vector<16xi32>, vector<16xi32>], vector<16xf32>, vector<16xi1>
      }
      %while3A_154 = arith.constant 1 : i32
      scf.for %while3A_157 = %while3A_152 to %while3A_148 step %while3A_154  : i32 {
        %mul3A_158 = arith.constant 16 : i32
        %mul3A_159 = arith.muli %while3A_157, %mul3A_158 : i32
        %get3A = arith.index_cast %mul3A_159 : i32 to index
        %get3A_160 = tpu.vector_load %arg7[%get3A] {strides = array<i32>} : memref<1040xi32, #tpu.memory_space<vmem>>, vector<16xi32>,
        %mul3A_161 = arith.constant 16 : i32
        %mul3A_162 = arith.muli %while3A_157, %mul3A_161 : i32
        %get3A_163 = arith.index_cast %mul3A_162 : i32 to index
        %get3A_164 = tpu.vector_load %arg8[%get3A_163] {strides = array<i32>} : memref<1040xi32, #tpu.memory_space<vmem>>, vector<16xi32>,
        %mul3A_165 = arith.constant 16 : i32
        %mul3A_166 = arith.muli %while3A_157, %mul3A_165 : i32
        %add3A_167 = vector.broadcast %mul3A_166 : i32 to vector<16xi32>
        %add3A_168 = arith.addi %add3A_167, %iota3A : vector<16xi32>
        %lt3A_169 = vector.broadcast %scan3A_15#1 : i32 to vector<16xi32>
        %lt3A_170 = arith.cmpi slt, %add3A_168, %lt3A_169 : vector<16xi32>
        %eq3A_171 = vector.broadcast %add3A_108 : i32 to vector<16xi32>
        %eq3A_172 = arith.cmpi eq, %get3A_160, %eq3A_171 : vector<16xi32>
        %and3A_173 = arith.andi %eq3A_172, %lt3A_170 : vector<16xi1>
        %and3A_174 = arith.andi %and3A_173, %ge3A_134 : vector<16xi1>
        %shift_right_arithmetic3A_175 = arith.constant 10 : i32
        %shift_right_arithmetic3A_176 = vector.broadcast %shift_right_arithmetic3A_175 : i32 to vector<16xi32>
        %shift_right_arithmetic3A_177 = arith.shrsi %get3A_164, %shift_right_arithmetic3A_176 : vector<16xi32>
        %add3A_178 = arith.constant 48 : i32
        %add3A_179 = vector.broadcast %add3A_178 : i32 to vector<16xi32>
        %add3A_180 = arith.addi %add3A_179, %shift_right_arithmetic3A_177 : vector<16xi32>
        %and3A_181 = arith.constant 1023 : i32
        %and3A_182 = vector.broadcast %and3A_181 : i32 to vector<16xi32>
        %and3A_183 = arith.andi %get3A_164, %and3A_182 : vector<16xi32>
        tpu.vector_store_idx %arg9[%add3A_180, %and3A_183], %broadcast_in_dim3A_3 masked %and3A_174 {add = true} : memref<96x1024xf32, #tpu.memory_space<vmem>>[vector<16xi32>, vector<16xi32>], vector<16xf32>, vector<16xi1>
      }
      %mul3A_155 = arith.constant 16 : i32
      %mul3A_156 = arith.muli %add3A_108, %mul3A_155 : i32
      "tpu.region"() ({
        %run_scoped3A = tpu.sem_alloc : memref<!tpu.dma_semaphore, #tpu.memory_space<semaphore_mem>>
        %dma_start3A = arith.constant 48 : i32
        %dma_start3A_157 = arith.constant 0 : i32
        %dma_start3A_158 = tpu.memref_slice %arg9[%dma_start3A, %dma_start3A_157] : memref<96x1024xf32, #tpu.memory_space<vmem>> -> memref<16x1024xf32, #tpu.memory_space<vmem>>
        %dma_start3A_159 = arith.constant 0 : i32
        %dma_start3A_160 = tpu.memref_slice %arg3[%mul3A_156, %dma_start3A_159] : memref<100000x1024xf32, #tpu.memory_space<hbm>> -> memref<16x1024xf32, #tpu.memory_space<hbm>>
        %dma_start3A_161 = arith.constant 0 : i32
        %dma_start3A_162 = tpu.memref_slice %arg3[%mul3A_156, %dma_start3A_161] : memref<100000x1024xf32, #tpu.memory_space<hbm>> -> memref<16x1024xf32, #tpu.memory_space<hbm>>
        %dma_start3A_163 = arith.constant 48 : i32
        %dma_start3A_164 = arith.constant 0 : i32
        %dma_start3A_165 = tpu.memref_slice %arg9[%dma_start3A_163, %dma_start3A_164] : memref<96x1024xf32, #tpu.memory_space<vmem>> -> memref<16x1024xf32, #tpu.memory_space<vmem>>
        tpu.enqueue_dma source(%dma_start3A_165 : memref<16x1024xf32, #tpu.memory_space<vmem>>) target(%dma_start3A_162 : memref<16x1024xf32, #tpu.memory_space<hbm>>) target_semaphore(%run_scoped3A : memref<!tpu.dma_semaphore, #tpu.memory_space<semaphore_mem>>)
        %dma_wait3A_166 = arith.constant 48 : i32
        %dma_wait3A_167 = arith.constant 0 : i32
        %dma_wait3A_168 = tpu.memref_slice %arg9[%dma_wait3A_166, %dma_wait3A_167] : memref<96x1024xf32, #tpu.memory_space<vmem>> -> memref<16x1024xf32, #tpu.memory_space<vmem>>
        %dma_wait3A_169 = arith.constant 0 : i32
        %dma_wait3A_170 = tpu.memref_slice %arg3[%mul3A_156, %dma_wait3A_169] : memref<100000x1024xf32, #tpu.memory_space<hbm>> -> memref<16x1024xf32, #tpu.memory_space<hbm>>
        %dma_wait3A_171 = arith.constant 0 : i32
        %dma_wait3A_172 = tpu.memref_slice %arg3[%mul3A_156, %dma_wait3A_171] : memref<100000x1024xf32, #tpu.memory_space<hbm>> -> memref<16x1024xf32, #tpu.memory_space<hbm>>
        %dma_wait3A_173 = arith.constant 48 : i32
        %dma_wait3A_174 = arith.constant 0 : i32
        %dma_wait3A_175 = tpu.memref_slice %arg9[%dma_wait3A_173, %dma_wait3A_174] : memref<96x1024xf32, #tpu.memory_space<vmem>> -> memref<16x1024xf32, #tpu.memory_space<vmem>>
        tpu.wait_dma2 semaphore(%run_scoped3A : memref<!tpu.dma_semaphore, #tpu.memory_space<semaphore_mem>>) src(%dma_wait3A_175 : memref<16x1024xf32, #tpu.memory_space<vmem>>) dst(%dma_wait3A_172 : memref<16x1024xf32, #tpu.memory_space<hbm>>)
        tpu.yield
      }) : () -> ()
    } else {
    }
    return
  }
}

</mosaic_0001>

<sc_bundles>
// kernel: _embed.3.cloned.1.call-start
scs
__scs_entry_jumppad:
0x0: {  	(pc) =	sbr.rel $0x88, $3  }
0x1: {  	(tag) =	ssettag $0x0;
	lr =	simm.s32 $0x1  }
0x2: {  	[smem:$0x3FA0] =	sst lr;
	_ =	strace $0xD0000000  }
0x3: {  	_ = 	snop  }
0x4: {  	_ = 	snop  }
0x5: {  	_ = 	snop  }
0x6: {  	_ = 	snop  }
0x7: {  	_ = 	snop  }
__scs_overlays_trampoline_lowered:
0x8: {  	[smem:$0x3FAF] =	sst s0  }
0x9: {  	[smem:$0x3FB0] =	sst s1  }
0xa: {  	[smem:$0x3FB1] =	sst s2  }
0xb: {  	[smem:$0x3FB2] =	sst s3  }
0xc: {  	[smem:$0x3FB3] =	sst s4  }
0xd: {  	[smem:$0x3FB4] =	sst s5  }
0xe: {  	[smem:$0x3FB5] =	sst s6  }
0xf: {  	[smem:$0x3FB6] =	sst s7  }
0x10: {  	[smem:$0x3FB7] =	sst s8  }
0x11: {  	[smem:$0x3FB8] =	sst s9;
	s0 =	simm.s32 @!p0 $0x0  }
0x12: {  	s1 =	sld [smem:$0x3F9E];
	s0 =	simm.s32 @p0 $0x1  }
0x13: {  	[smem:$0x3FB9] =	sst s0;
	s0 =	simm.s32 @!p1 $0x0  }
0x14: {  	s2 =	sld [smem:$0x3F9D];
	s0 =	simm.s32 @p1 $0x1  }
0x15: {  	[smem:$0x3FBA] =	sst s0;
	s0 =	simm.s32 @!p2 $0x0  }
0x16: {  	s3 =	sld [smem:$0x3FDB];
	s0 =	simm.s32 @p2 $0x1  }
0x17: {  	s4 =	simm.s32 $0x1BF5;
	[smem:$0x3FBC] =	sst s0  }
0x18: {  	s0 =	sld [smem:$0x3F9F];
	_ =	swait.ge [sflag:s4], $0x0  }
0x19: {  	s7 =	sld [smem:$0x3FA0]  }
0x1a: {  	s8 =	sadd.s32 $0xFFFFE003, lr  }
0x1b: {  	s9 =	sadd.s32 $0xFFFFFEF7, lr;
	s5 =	simm.s32 $0xFFFFFFFF;
	p2 =	slt.u32 s8, $0xFFFFF086  }
0x1c: {  	p1 =	slt.u32 s9, $0xF7A;
	s5 =	simm.s32 @!p2 $0x0  }
0x1d: {  	s5 =	simm.s32 @p1 $0x1;
	p0 =	seq.s32 s7, s2  }
0x1e: {  	s7 =	smul.u32 @!p0 $0xF7A, s2;
	p2 =	seq.s32 @!p0 s5, $0x0  }
0x1f: {  	s9 =	smul.u32 $0xF7A, s1;
	s8 =	simm.s32 @!p0 $0x1BF5;
	p2 =	por !p2, p0  }
0x20: {  	[sflag:s8] =	ssyncset.s32 @!p0 $0xFFFFF086;
	s6 =	sadd.s32 @!p0 s3, s7;
	s7 =	simm.s32 @!p0 $0x108  }
0x21: {  	s3 =	sadd.s32 s3, s9;
	s6 =	sadd.s32 @!p0 $0x88, s6;
	s7 =	simm.s32 @p2 $0x1082  }
0x22: {  	[simem:s7], [sflag:s8] =	dma.local @!p0 [hbm:s6], $0xF7A  }
0x23: {  	s9 =	sor.u32 $0xD0000000, s2;
	s6 =	simm.s32 $0x108;
	_ =	swait.ge @!p0 [sflag:s8], $0x0  }
0x24: {  	s3 =	sadd.s32 $0x88, s3;
	s6 =	simm.s32 @!p1 $0x1082;
	[sflag:s4] =	ssyncset.s32 $0xFFFFF086  }
0x25: {  	[simem:s6], [sflag:s4] =	dma.local [hbm:s3], $0xF7A  }
0x26: {  	[smem:$0x3FA0] =	sst s1;
	(tag) =	ssettag s2;
	_ =	strace s9  }
0x27: {  	s1 =	sld [smem:$0x3FB0]  }
0x28: {  	s2 =	sld [smem:$0x3FB1]  }
0x29: {  	s4 =	sld [smem:$0x3FB3]  }
0x2a: {  	p0 =	seq.s32 s5, $0x0;
	s5 =	sld [smem:$0x3FB4]  }
0x2b: {  	s6 =	sld [smem:$0x3FB5]  }
0x2c: {  	s7 =	sld [smem:$0x3FB6]  }
0x2d: {  	s3 =	simm.s32 $0x108;
	s8 =	sld [smem:$0x3FB7]  }
0x2e: {  	s3 =	simm.s32 @!p0 $0x1082;
	s9 =	sld [smem:$0x3FB8]  }
0x2f: {  	lr =	sadd.s32 s0, s3;
	s0 =	sld [smem:$0x3FAF]  }
0x30: {  	s3 =	sld [smem:$0x3FB2]  }
0x31: {  	[smem:$0x3FBB] =	sst s10  }
0x32: {  	s10 =	sld [smem:$0x3FB9];
	_ =	sdelay $0x3  }
0x33: {  	p0 =	seq.s32 s10, $0x1;
	s10 =	sld [smem:$0x3FBB];
	_ =	sdelay $0x3  }
0x34: {  	[smem:$0x3FBB] =	sst s10  }
0x35: {  	s10 =	sld [smem:$0x3FBA];
	_ =	sdelay $0x3  }
0x36: {  	p1 =	seq.s32 s10, $0x1;
	s10 =	sld [smem:$0x3FBB];
	_ =	sdelay $0x3  }
0x37: {  	[smem:$0x3FBB] =	sst s10  }
0x38: {  	s10 =	sld [smem:$0x3FBC]  }
0x39: {  	_ = 	snop;
	(pc) =	sbr.ind lr, $3  }
0x3a: {  	_ = 	snop  }
0x3b: {  	_ = 	snop  }
0x3c: {  	p2 =	seq.s32 s10, $0x1;
	s10 =	sld [smem:$0x3FBB]  }
0x3d: {  	_ =	shalt  }
0x3e: {  	_ =	shalt  }
0x3f: {  	_ =	shalt  }
0x40: {  	_ =	shalt  }
0x41: {  	_ =	shalt  }
0x42: {  	_ =	shalt  }
0x43: {  	_ =	shalt  }
0x44: {  	_ =	shalt  }
0x45: {  	_ =	shalt  }
0x46: {  	_ =	shalt  }
0x47: {  	_ =	shalt  }
0x48: {  	_ =	shalt  }
0x49: {  	_ =	shalt  }
0x4a: {  	_ =	shalt  }
0x4b: {  	_ =	shalt  }
0x4c: {  	_ =	shalt  }
0x4d: {  	_ =	shalt  }
0x4e: {  	_ =	shalt  }
0x4f: {  	_ =	shalt  }
0x50: {  	_ =	shalt  }
0x51: {  	_ =	shalt  }
0x52: {  	_ =	shalt  }
0x53: {  	_ =	shalt  }
0x54: {  	_ =	shalt  }
0x55: {  	_ =	shalt  }
0x56: {  	_ =	shalt  }
0x57: {  	_ =	shalt  }
0x58: {  	_ =	shalt  }
0x59: {  	_ =	shalt  }
0x5a: {  	_ =	shalt  }
0x5b: {  	_ =	shalt  }
0x5c: {  	_ =	shalt  }
0x5d: {  	_ =	shalt  }
0x5e: {  	_ =	shalt  }
0x5f: {  	_ =	shalt  }
0x60: {  	_ =	shalt  }
0x61: {  	_ =	shalt  }
0x62: {  	_ =	shalt  }
0x63: {  	_ =	shalt  }
0x64: {  	_ =	shalt  }
0x65: {  	_ =	shalt  }
0x66: {  	_ =	shalt  }
0x67: {  	_ =	shalt  }
0x68: {  	_ =	shalt  }
0x69: {  	_ =	shalt  }
0x6a: {  	_ =	shalt  }
0x6b: {  	_ =	shalt  }
0x6c: {  	_ =	shalt  }
0x6d: {  	_ =	shalt  }
0x6e: {  	_ =	shalt  }
0x6f: {  	_ =	shalt  }
0x70: {  	_ =	shalt  }
0x71: {  	_ =	shalt  }
0x72: {  	_ =	shalt  }
0x73: {  	_ =	shalt  }
0x74: {  	_ =	shalt  }
0x75: {  	_ =	shalt  }
0x76: {  	_ =	shalt  }
0x77: {  	_ =	shalt  }
0x78: {  	_ =	shalt  }
0x79: {  	_ =	shalt  }
0x7a: {  	_ =	shalt  }
0x7b: {  	_ =	shalt  }
0x7c: {  	_ =	shalt  }
0x7d: {  	_ =	shalt  }
0x7e: {  	_ =	shalt  }
0x7f: {  	_ =	shalt  }
0x80: {  	_ =	shalt  }
0x81: {  	_ =	shalt  }
0x82: {  	_ =	shalt  }
0x83: {  	_ =	shalt  }
0x84: {  	_ =	shalt  }
0x85: {  	_ =	shalt  }
0x86: {  	_ =	shalt  }
0x87: {  	_ =	shalt  }
.Lfunc_end0:
.L_simem_size_0:
called_computation_lowered:
.L_overlay_start_0:
0x88: {  	s2 =	sld [smem:$0x3FD9]  }
0x89: {  	s3 =	sld [smem:$0x3FFE];
	_ =	sdelay $0x1  }
0x8a: {  	s1 =	srdreg.scid  }
0x8b: {  	s0 =	sand.u32 $0x1, s1  }
0x8c: {  	s18 =	sshll.u32 s0, $0xA;
	s2 =	sadd.s32 s3, s2  }
0x8d: {  	s2 =	sadd.s32 s2, s18  }
0x8e: {  	[smem:$0x3FC7] =	sst s2  }
0x8f: {  	_ = 	snop  }
0x90: {  	s2 =	sld [smem:$0x3FC9]  }
0x91: {  	s19 =	sld [smem:$0x3FD0];
	(tm) =	ssettm $0x1  }
0x92: {  	s4 =	sld [smem:$0x3FFB];
	_ =	sdelay $0x3  }
0x93: {  	_ =	strace s4  }
0x94: {  	s4 =	sld [smem:$0x3FFC];
	_ =	sdelay $0x3  }
0x95: {  	_ =	strace s4  }
0x96: {  	s4 =	sld [smem:$0x3FFD];
	_ =	sdelay $0x3  }
0x97: {  	_ =	strace s4  }
0x98: {  	_ =	strace $0x8FFFFFFF  }
0x99: {  	s20 =	sld [smem:$0x3FDB];
	_ =	sdelay $0x1  }
0x9a: {  	s5 =	simm.s32 $_scs_section_size  }
0x9b: {  	s6 =	simm.s32 $_size__tile_overlayer_lowered;
	s7 =	simm.s32 $_tile_overlayer_lowered  }
0x9c: {  	s23 =	simm.s32 $0x1BFF;
	s22 =	sshll.u32 s7, $0x1;
	s4 =	sadd.s32 s5, s20  }
0x9d: {  	s8 =	simm.s32 $0x0;
	s21 =	sshll.u32 s6, $0x1;
	s6 =	sadd.s32 s22, s4  }
0x9e: {  	[timem:s8], [sflag:s23] =	dma.local [hbm:s6], s21  }
0x9f: {  	_ =	swait.ge [sflag:s23], s21  }
0xa0: {  	s5 =	ssub.s32 $0x0, s21;
	[sflag:s23] =	ssyncset.done $0x0  }
0xa1: {  	[sflag:s23] =	ssyncadd.s32 s5;
	_ =	sdelay $0x1  }
0xa2: {  	s24 =	simm.s32 $0x1B8B  }
0xa3: {  	_ =	swait.ge [sflag:s24], $0x1  }
0xa4: {  	[sflag:s24] =	ssyncset.done $0x0  }
0xa5: {  	s25 =	simm.s32 $0x1B8E;
	[sflag:s24] =	ssyncadd.s32 $0xFFFFFFFF  }
0xa6: {  	s26 =	simm.s32 $execute0_lowered;
	[smem:$0x3FD2] =	sst s25  }
0xa7: {  	s5 =	sshll.u32 s26, $0x1;
	_ =	strace $0x80000046;
	[dreg:$0x1] =	wrdreg $0xFFFFFFFF  }
0xa8: {  	s28 =	simm.s32 $_size_execute0_lowered;
	s4 =	sadd.s32 s4, s5;
	[dreg:$0x0] =	wrdreg $0x0  }
0xa9: {  	s5 =	sshll.u32 s28, $0x1;
	[dreg:$0x2] =	wrdreg s4  }
0xaa: {  	[dreg:$0x3] =	wrdreg s5  }
0xab: {  	[dreg:$0x4] =	wrdreg $0xC0  }
0xac: {  	_ =	task [dreg:s8], $0x5FFFF  }
0xad: {  	[dreg:$0x1] =	wrdreg $0xFFFFFFFF  }
0xae: {  	[dreg:$0x0] =	wrdreg $0x60  }
0xaf: {  	[dreg:$0x2] =	wrdreg s2  }
0xb0: {  	[dreg:$0x3] =	wrdreg s19  }
0xb1: {  	[dreg:$0x4] =	wrdreg $0x9  }
0xb2: {  	_ =	task.clear_ibuf [dreg:s8], $0x5FFFF;
	_ =	strace $0x90000046  }
0xb3: {  	s29 =	simm.s32 $0x9;
	_ =	strace $0x80000048  }
0xb4: {  	_ =	swait.ge [sflag:s29], $0x1  }
0xb5: {  	[sflag:s29] =	ssyncadd.s32 $0xFFFFFFFF  }
0xb6: {  	_ =	strace $0x90000048  }
0xb7: {  	_ =	sfence  }
0xb8: {  	s30 =	sld [smem:$0x0];
	_ =	sdelay $0x2  }
0xb9: {  	s31 =	sshll.u32 s1, $0xD;
	s1 =	sshrl.u32 s1, $0x2  }
0xba: {  	s3 =	sand.u32 $0x4000, s31;
	s1 =	sadd.s32 s1, s30  }
0xbb: {  	s0 =	sor.u32 s3, s0;
	s1 =	sshll.u32 s1, $0x11  }
0xbc: {  	s0 =	sor.u32 s1, s0  }
0xbd: {  	s0 =	sadd.s32 $0x8F2B, s0  }
0xbe: {  	[sflag:s0] =	ssyncadd.remote.s32 $0x1  }
0xbf: {  	_ =	sfence.sel $0xFFFF  }
0xc0: {  	[dreg:$0x0] =	wrdreg $0xFFFFFFFF;
	(pc) =	sbr.abs _section_cstart, $3  }
0xc1: {  	[dreg:$0x1] =	wrdreg $0xFFFFFFFF  }
0xc2: {  	_ =	task.clear_ibuf [dreg:s8], $0x2FFFF;
	_ =	strace $0x9FFFFFFF  }
0xc3: {  	(tm) =	ssettm $0x7FFFFFFF  }
tec
execute0_lowered:
.L_overlay_start_1:
0x0: {  	(tag) =	ssettag $0x1  }
0x1: {  	vm0 =	vcmask $0xB08;
	vm1 =	vcmask $0x300  }
0x2: {  	vm2 =	vcmask $0xF0C;
	vm0 =	vmor vm1, vm0;
	vm1 =	vcmask $0x1310  }
0x3: {  	vm3 =	vcmask $0x704;
	vm0 =	vmor vm0, vm1;
	vm1 =	vcmask $0x1B18  }
0x4: {  	s0 =	rddreg [dreg:$0x0];
	v2 =	vlaneseq.u32;
	vm0 =	vmor vm0, vm1;
	vm1 =	vcmask $0x2320  }
0x5: {  	s1 =	rddreg [dreg:$0x1];
	s4 =	srdreg.scid;
	v5 =	vimm.s32 $0x0;
	vm0 =	vmor vm0, vm1;
	vm1 =	vcmask $0x2B28  }
0x6: {  	s2 =	stileid.u32;
	s3 =	rddreg [dreg:$0x2];
	v6 =	vimm.f32 $0.0e+00;
	vm0 =	vmor vm0, vm1;
	vm1 =	vcmask $0x3330  }
0x7: {  	s10 =	simm.s32 $0x1;
	s11 =	simm.s32 $0xDA00;
	s12 =	simm.s32 $0x0;
	vm0 =	vmor vm0, vm1;
	vm1 =	vmor vm3, vm2;
	vm2 =	vcmask $0x1714  }
0x8: {  	v7 =	vimm.f32 $1.000000000e+00;
	s5 =	sand.u32 $0x1, s4;
	s6 =	sshll.u32 s2, $0x1;
	s4 =	simm.s32 $0x0;
	vm1 =	vmor vm1, vm2;
	vm2 =	vcmask $0x1F1C  }
.Ltmp0:
0x9: {  	v4 =	vshrl.u32 v2, $0x1;
	s7 =	ssub.s32 $0x2, s5;
	s5 =	sor.u32 s5, s6;
	vm1 =	vmor vm1, vm2;
	vm2 =	vcmask $0x2724;
	(pc) =	sbr.rel .LBB2_1-.Ltmp0, $4  }
0xa: {  	p0 =	sgt.u32 s2, $0x4;
	[smem:$0x7FF] =	sst s4;
	v0 =	vmov s5;
	s8 =	sor.u32 $0x1860, s5;
	vm1 =	vmor vm1, vm2;
	vm2 =	vcmask $0x2F2C  }
0xb: {  	s30 =	sshrl.u32 s7, $0x1;
	s9 =	sor.u32 $0x17A0, s5;
	_ =	strace $0x80000047;
	v3 =	vmov s8;
	vm1 =	vmor vm1, vm2;
	vm2 =	vcmask $0x3734  }
0xc: {  	s7 =	ssub.s32 s7, s30;
	s31 =	sshll.u32 s8, $0xB;
	s8 =	simm.s32 $0x2;
	vm3 =	vcmask $0x3B38;
	vm1 =	vmor vm1, vm2;
	vm2 =	vcmask $0x3F3C  }
0xd: {  	v1 =	vmov s9;
	s9 =	simm.s32 $0x1A00;
	s6 =	sadd.s32 s1, s31;
	s7 =	smax.u32 s7, $0x1;
	vm0 =	vmor vm0, vm3;
	vm1 =	vmor vm1, vm2  }
.LBB2_57:
0xe: {  	s13 =	simm.s32 $0x1100;
	s16 =	simm.s32 $0x0  }
.LBB2_65:
0xf: {  	s13 =	sadd.s32 @p1 $0x10, s13  }
0x10: {  	s15 =	smov.u32 @p1 s13  }
0x11: {  	v10 =	vld [tilespmem:s15+$0x0]  }
0x12: {  	s13 =	sadd.s32 @p1 $0x10, s16  }
0x13: {  	v12 =	vshll.u32 v9, $0x3;
	v13 =	vand.u32 $0xFFFFE000, v9;
	s14 =	smov.u32 @p1 s13  }
0x14: {  	v14 =	vshrl.u32 v9, $0x3;
	v12 =	vand.u32 $0x1C00, v12;
	v11 =	vor.u32 s14, v2  }
0x15: {  	v62 =	vand.u32 $0x380, v14;
	vm2 =	vlt.s32 v11, v8;
	v8 =	vor.u32 v12, v13  }
0x16: {  	v63 =	vand.u32 $0x7F, v9;
	v8 =	vor.u32 v62, v8;
	vm3 =	veq.s32 v10, v3  }
0x17: {  	v8 =	vor.u32 v63, v8;
	vm2 =	vmand vm2, vm3  }
0x18: {  	v8 =	vadd.s32 $0xC000, v8;
	_ =	sdelay $0x4  }
0x19: {  	[tilespmem:v8+s9+$0x0] =	vst.idx.add.f32.msk vm2, v7  }
.LBB2_66:
0x1a: {  	[hbm4b:s6+s4] =	stream.linear.scatter [tilespmem:s11], [sflag:$0x2], $0x4000, $0x38;
	[tilespmem:$0x19A00] =	vst v63  }
0x1b: {  	_ =	swait.ge [sflag:s8], $0x4000  }
0x1c: {  	[sflag:s8] =	ssyncset.done $0x0  }
0x1d: {  	[sflag:s8] =	ssyncadd.s32 $0xFFFFC000  }
.LBB2_67:
0x1e: {  	s12 =	sadd.s32 $0x1, s12  }
0x1f: {  	p1 =	sne.s32 s12, s7  }
.Ltmp1:
0x20: {  	_ = 	snop;
	(pc) =	sbr.rel @!p1 .LBB2_68-.Ltmp1, $1  }
0x21: {  	_ =	sdelay $0x3  }
.LBB2_1:
0x22: {  	[tilespmem:s4], [sflag:$0x2] =	stream.linear.gather [hbm4b:s0+s4], $0x800, $0x38;
	[tilespmem:$0x19A00] =	vst v63  }
0x23: {  	_ =	swait.ge [sflag:s8], $0x800  }
0x24: {  	[sflag:s8] =	ssyncset.done $0x0  }
0x25: {  	[sflag:s8] =	ssyncadd.s32 $0xFFFFF800  }
0x26: {  	v8 =	vld [tilespmem:s4+$0x0];
	_ =	sdelay $0x4  }
0x27: {  	v9 =	vshra.s32 v8, $0x4  }
0x28: {  	v8 =	vshll.u32 v8, $0xA;
	v10 =	vand.u32 $0x1F, v9  }
0x29: {  	v8 =	vand.u32 $0x3C00, v8;
	vm2 =	veq.s32 v10, v0  }
0x2a: {  	v8 =	vor.u32 s4, v8;
	vm3 =	vmand vm2, vm0  }
0x2b: {  	v8 =	vor.u32 v4, v8;
	[tilespmem:s4+$0x800] =	vst.msk vm3, v9  }
0x2c: {  	vm2 =	vmand vm2, vm1;
	v10 =	vsel vm3, $0x1, v5;
	[tilespmem:s4+$0xC80] =	vst.msk vm3, v8  }
0x2d: {  	(xrf0) =	vadd.scan.msk.s32 $0xffff, v10;
	[tilespmem:s4+$0x1100] =	vst.msk vm2, v9  }
0x2e: {  	[tilespmem:s4+$0x1580] =	vst.msk vm2, v8;
	v8 =	vsel vm2, $0x1, v5  }
0x2f: {  	(xrf0) =	vadd.scan.msk.s32 $0xffff, v8;
	_ =	sdelay $0x3  }
0x30: {  	v10, _, _ =	vpop (xrf0)  }
0x31: {  	(v2sf) =	vpush v10, $0xF  }
0x32: {  	v11, _, _ =	vpop (xrf0)  }
0x33: {  	s13 =	simm.s32 $0x10;
	(v2sf) =	vpush v11, $0xF  }
0x34: {  	v9 =	vld [tilespmem:s13+$0x0];
	_ =	sdelay $0x4  }
0x35: {  	v8 =	vshra.s32 v9, $0x4  }
0x36: {  	v10 =	vand.u32 $0x1F, v8  }
0x37: {  	vm2 =	veq.s32 v10, v0  }
0x38: {  	vm3 =	vmand vm2, vm0  }
0x39: {  	vm2 =	vmand vm2, vm1;
	v10 =	vsel vm3, $0x1, v5  }
0x3a: {  	v9 =	vshll.u32 v9, $0xA;
	(xrf0) =	vadd.scan.msk.s32 $0xffff, v10;
	v10 =	vsel vm2, $0x1, v5  }
0x3b: {  	s14 =	simm.s32 $0x8;
	s16 =	simm.s32 $0x10;
	v9 =	vand.u32 $0x3C00, v9;
	(xrf0) =	vadd.scan.msk.s32 $0xffff, v10  }
0x3c: {  	s15 =	simm.s32 $0x0;
	v9 =	vor.u32 s14, v9;
	s14 =	simm.s32 $0x0;
	s17 =	spop (v2sf)  }
.LBB2_2:
0x3d: {  	s15 =	sadd.s32 s15, s17  }
0x3e: {  	s17 =	spop (v2sf);
	s18 =	smov.u32 s16;
	s19 =	sadd.s32 $0x8, s16  }
0x3f: {  	p1 =	sne.s32 s16, $0x3F8;
	v9 =	vor.u32 v4, v9;
	[tilespmem:s15+$0x800] =	vst.msk vm3, v8;
	s14 =	sadd.s32 s14, s17  }
0x40: {  	[tilespmem:s15+$0xC80] =	vst.msk vm3, v9;
	v10, _, _ =	vpop (xrf0)  }
0x41: {  	[tilespmem:s14+$0x1100] =	vst.msk vm2, v8;
	(v2sf) =	vpush v10, $0xF;
	v8, _, _ =	vpop (xrf0)  }
0x42: {  	s13 =	sadd.s32 $0x10, s13;
	[tilespmem:s14+$0x1580] =	vst.msk vm2, v9;
	(v2sf) =	vpush v8, $0xF  }
0x43: {  	v9 =	vld [tilespmem:s13+$0x0];
	_ =	sdelay $0x4  }
0x44: {  	v8 =	vshra.s32 v9, $0x4;
	v9 =	vshll.u32 v9, $0xA  }
0x45: {  	v10 =	vand.u32 $0x1F, v8;
	v9 =	vand.u32 $0x3C00, v9  }
0x46: {  	vm2 =	veq.s32 v10, v0;
	v9 =	vor.u32 s18, v9  }
0x47: {  	vm3 =	vmand vm2, vm0;
	vm2 =	vmand vm2, vm1  }
.Ltmp2:
0x48: {  	v10 =	vsel vm3, $0x1, v5;
	v11 =	vsel vm2, $0x1, v5;
	(pc) =	sbr.rel @p1 .LBB2_2-.Ltmp2, $3  }
0x49: {  	(xrf0) =	vadd.scan.msk.s32 $0xffff, v10  }
0x4a: {  	(xrf0) =	vadd.scan.msk.s32 $0xffff, v11;
	_ =	sdelay $0x1  }
0x4b: {  	s16 =	smov.u32 s19;
	s17 =	spop (v2sf)  }
0x4c: {  	_ =	sdelay $0x1  }
0x4d: {  	v10, _, _ =	vpop (xrf0)  }
0x4e: {  	(v2sf) =	vpush v10, $0xF;
	v10, _, _ =	vpop (xrf0)  }
0x4f: {  	(v2sf) =	vpush v10, $0xF;
	_ =	sdelay $0xc  }
0x50: {  	s13 =	spop (v2sf)  }
0x51: {  	s15 =	sadd.s32 s15, s17;
	s16 =	spop (v2sf)  }
.Ltmp3:
0x52: {  	s28 =	sadd.s32 s14, s13;
	s29 =	spop (v2sf);
	(pc) =	sbr.rel .LBB2_4-.Ltmp3, $4  }
0x53: {  	v9 =	vor.u32 v4, v9;
	[tilespmem:s15+$0x800] =	vst.msk vm3, v8;
	s16 =	sadd.s32 s15, s16;
	s18 =	sadd.s32 s28, s29  }
0x54: {  	s17 =	simm.s32 $0x0;
	[tilespmem:s15+$0xC80] =	vst.msk vm3, v9;
	s30 =	sadd.s32 $0xF, s16;
	s31 =	sadd.s32 $0xF, s18  }
0x55: {  	[tilespmem:s28+$0x1100] =	vst.msk vm2, v8;
	s15 =	simm.s32 $0x0;
	s14 =	sshra.s32 s30, $0x4;
	s13 =	sshra.s32 s31, $0x4  }
0x56: {  	[tilespmem:s28+$0x1580] =	vst.msk vm2, v9;
	v9 =	vmov s16;
	s16 =	simm.s32 $0x0;
	v8 =	vmov s18;
	p1 =	slt.s32 s14, $0x1;
	p2 =	slt.s32 s13, $0x1  }
.LBB2_27:
0x57: {  	s22 =	simm.s32 $0x0  }
.LBB2_35:
0x58: {  	s21 =	sadd.s32 @p3 $0x10, s22;
	vm3 =	veq.s32 v13, v10;
	v10 =	vshra.s32 v12, $0xA;
	v63 =	vshll.u32 v12, $0x3  }
0x59: {  	v62 =	vand.u32 $0x7F, v12;
	s20 =	smov.u32 @p3 s21;
	v11 =	vadd.s32 v11, v10;
	v12 =	vand.u32 $0x1C00, v63  }
0x5a: {  	v10 =	vshll.u32 v10, $0x7;
	v14 =	vor.u32 s20, v2;
	v11 =	vshll.u32 v11, $0xA  }
0x5b: {  	v10 =	vand.u32 $0x380, v10;
	v12 =	vor.u32 v62, v12;
	vm2 =	vlt.s32 v14, v8  }
0x5c: {  	v11 =	vand.u32 $0xFFFFE000, v11;
	v10 =	vor.u32 v10, v12;
	vm2 =	vmand vm2, vm3  }
0x5d: {  	v10 =	vor.u32 v11, v10;
	_ =	sdelay $0x4  }
0x5e: {  	[tilespmem:v10+s9+$0x0] =	vst.idx.add.f32.msk vm2, v7  }
.LBB2_36:
0x5f: {  	s17 =	sadd.s32 $0x1, s17  }
0x60: {  	p3 =	sne.s32 s17, $0xC3  }
.Ltmp4:
0x61: {  	_ = 	snop;
	(pc) =	sbr.rel @!p3 .LBB2_37-.Ltmp4, $4  }
0x62: {  	s19 =	sshll.u32 s19, $0x10  }
0x63: {  	s18 =	sshll.u32 s18, $0xB;
	s16 =	sadd.s32 $0x800, s16;
	s19 =	sshra.s32 s19, $0x2  }
0x64: {  	s15 =	sadd.s32 $0x4000, s15;
	s18 =	sadd.s32 s1, s18;
	s19 =	sor.u32 $0x1A00, s19  }
0x65: {  	[hbm4b:s18+s4] =	stream.linear.scatter [tilespmem:s19], [sflag:$0x1], $0x4000, $0x38;
	[tilespmem:$0x19A00] =	vst v63  }
.LBB2_4:
0x66: {  	s18 =	smul.u32 $0xAB, s17;
	_ =	sdelay $0x1  }
0x67: {  	p3 =	sgt.u32 s17, $0x5;
	s18 =	sshrl.u32 s18, $0xA  }
.Ltmp5:
0x68: {  	s18 =	sand.u32 $0x3F, s18;
	(pc) =	sbr.rel @p3 .LBB2_8-.Ltmp5, $3  }
0x69: {  	s18 =	smul.u32 $0xFFFFFFA, s18;
	_ =	sdelay $0x1  }
0x6a: {  	s20 =	sshll.u32 s17, $0x5;
	s19 =	sadd.s32 s17, s18  }
0x6b: {  	s18 =	sor.u32 s5, s20;
	s20 =	sshll.u32 s19, $0x4  }
0x6c: {  	p3 =	seq.s32 s20, $0x7FFFFFF0  }
.Ltmp6:
0x6d: {  	_ = 	snop;
	(pc) =	sbr.rel @p3 .LBB2_22-.Ltmp6, $1  }
0x6e: {  	_ =	sdelay $0x3  }
0x6f: {  	s21 =	smulhi.u32 $0xAAAAAAAB, s17;
	_ =	sdelay $0x1  }
0x70: {  	s21 =	sshrl.u32 s21, $0x2  }
0x71: {  	s22 =	smul.u32 $0x3000, s21  }
0x72: {  	s23 =	smul.u32 $0x18000, s21  }
0x73: {  	s24 =	sadd.s32 $0x10, s20;
	s21 =	ssub.s32 s16, s22  }
0x74: {  	s25 =	smov.u32 s20;
	s22 =	ssub.s32 s15, s23;
	s23 =	sshrl.u32 s21, $0x7  }
.LBB2_7:
0x75: {  	s26 =	sand.u32 $0xFFFFE000, s22;
	s28 =	sand.u32 $0x380, s21  }
0x76: {  	s26 =	sor.u32 s28, s26  }
0x77: {  	[tilespmem:s26+$0x1A00] =	vst v6  }
0x78: {  	[tilespmem:s26+$0x1A10] =	vst v6  }
0x79: {  	[tilespmem:s26+$0x1A20] =	vst v6  }
0x7a: {  	[tilespmem:s26+$0x1A30] =	vst v6  }
0x7b: {  	[tilespmem:s26+$0x1A40] =	vst v6  }
0x7c: {  	[tilespmem:s26+$0x1A50] =	vst v6  }
0x7d: {  	[tilespmem:s26+$0x1A60] =	vst v6  }
0x7e: {  	[tilespmem:s26+$0x1A70] =	vst v6  }
0x7f: {  	[tilespmem:s26+$0x1E00] =	vst v6  }
0x80: {  	[tilespmem:s26+$0x1E10] =	vst v6  }
0x81: {  	[tilespmem:s26+$0x1E20] =	vst v6  }
0x82: {  	[tilespmem:s26+$0x1E30] =	vst v6  }
0x83: {  	[tilespmem:s26+$0x1E40] =	vst v6  }
0x84: {  	[tilespmem:s26+$0x1E50] =	vst v6  }
0x85: {  	[tilespmem:s26+$0x1E60] =	vst v6  }
0x86: {  	[tilespmem:s26+$0x1E70] =	vst v6  }
0x87: {  	[tilespmem:s26+$0x2200] =	vst v6  }
0x88: {  	[tilespmem:s26+$0x2210] =	vst v6  }
0x89: {  	[tilespmem:s26+$0x2220] =	vst v6  }
0x8a: {  	[tilespmem:s26+$0x2230] =	vst v6  }
0x8b: {  	[tilespmem:s26+$0x2240] =	vst v6  }
0x8c: {  	[tilespmem:s26+$0x2250] =	vst v6  }
0x8d: {  	[tilespmem:s26+$0x2260] =	vst v6  }
0x8e: {  	[tilespmem:s26+$0x2270] =	vst v6  }
0x8f: {  	[tilespmem:s26+$0x2600] =	vst v6  }
0x90: {  	[tilespmem:s26+$0x2610] =	vst v6  }
0x91: {  	[tilespmem:s26+$0x2620] =	vst v6  }
0x92: {  	[tilespmem:s26+$0x2630] =	vst v6  }
0x93: {  	[tilespmem:s26+$0x2640] =	vst v6  }
0x94: {  	[tilespmem:s26+$0x2650] =	vst v6  }
0x95: {  	[tilespmem:s26+$0x2660] =	vst v6  }
0x96: {  	[tilespmem:s26+$0x2670] =	vst v6  }
0x97: {  	[tilespmem:s26+$0x2A00] =	vst v6  }
0x98: {  	[tilespmem:s26+$0x2A10] =	vst v6  }
0x99: {  	[tilespmem:s26+$0x2A20] =	vst v6  }
0x9a: {  	[tilespmem:s26+$0x2A30] =	vst v6  }
0x9b: {  	[tilespmem:s26+$0x2A40] =	vst v6  }
0x9c: {  	[tilespmem:s26+$0x2A50] =	vst v6  }
0x9d: {  	[tilespmem:s26+$0x2A60] =	vst v6  }
0x9e: {  	[tilespmem:s26+$0x2A70] =	vst v6  }
0x9f: {  	[tilespmem:s26+$0x2E00] =	vst v6  }
0xa0: {  	[tilespmem:s26+$0x2E10] =	vst v6  }
0xa1: {  	[tilespmem:s26+$0x2E20] =	vst v6  }
0xa2: {  	[tilespmem:s26+$0x2E30] =	vst v6  }
0xa3: {  	[tilespmem:s26+$0x2E40] =	vst v6  }
0xa4: {  	[tilespmem:s26+$0x2E50] =	vst v6  }
0xa5: {  	[tilespmem:s26+$0x2E60] =	vst v6  }
0xa6: {  	[tilespmem:s26+$0x2E70] =	vst v6  }
0xa7: {  	[tilespmem:s26+$0x3200] =	vst v6  }
0xa8: {  	[tilespmem:s26+$0x3210] =	vst v6  }
0xa9: {  	[tilespmem:s26+$0x3220] =	vst v6  }
0xaa: {  	[tilespmem:s26+$0x3230] =	vst v6  }
0xab: {  	s29 =	sand.u32 $0x7, s23;
	[tilespmem:s26+$0x3240] =	vst v6  }
0xac: {  	s28 =	sshll.u32 s29, $0x7;
	[tilespmem:s26+$0x3250] =	vst v6  }
0xad: {  	s28 =	sadd.s32 s28, s22;
	[tilespmem:s26+$0x3260] =	vst v6  }
0xae: {  	[tilespmem:s26+$0x3270] =	vst v6;
	s30 =	sor.u32 $0x1C00, s28  }
0xaf: {  	s31 =	sor.u32 $0x1C10, s28;
	[tilespmem:s30+$0x1A00] =	vst v6  }
0xb0: {  	s25 =	sadd.s32 $0x1, s25;
	s29 =	sor.u32 $0x1C20, s28;
	[tilespmem:s31+$0x1A00] =	vst v6  }
0xb1: {  	p3 =	slt.s32 s25, s24;
	s30 =	sor.u32 $0x1C30, s28;
	[tilespmem:s29+$0x1A00] =	vst v6  }
.Ltmp7:
0xb2: {  	s31 =	sor.u32 $0x1C40, s28;
	[tilespmem:s30+$0x1A00] =	vst v6;
	(pc) =	sbr.rel @p3 .LBB2_7-.Ltmp7, $4  }
0xb3: {  	s29 =	sor.u32 $0x1C50, s28;
	[tilespmem:s31+$0x1A00] =	vst v6  }
0xb4: {  	s30 =	sor.u32 $0x1C60, s28;
	[tilespmem:s29+$0x1A00] =	vst v6  }
0xb5: {  	s31 =	sor.u32 $0x1C70, s28;
	[tilespmem:s30+$0x1A00] =	vst v6  }
0xb6: {  	s21 =	sadd.s32 $0x80, s21;
	s23 =	sadd.s32 $0x1, s23;
	s22 =	sadd.s32 $0x400, s22;
	[tilespmem:s31+$0x1A00] =	vst v6  }
.Ltmp8:
0xb7: {  	_ = 	snop;
	(pc) =	sbr.rel .LBB2_22-.Ltmp8, $1  }
0xb8: {  	_ =	sdelay $0x3  }
.LBB2_8:
.Ltmp9:
0xb9: {  	(pc) =	sbr.rel @p1 .LBB2_11-.Ltmp9, $4  }
0xba: {  	_ = 	snop  }
0xbb: {  	_ =	swait.ge [sflag:s10], $0x4000  }
0xbc: {  	s21 =	sadd.s32 $0xFFFFFF40, s18;
	[sflag:s10] =	ssyncset.done $0x0  }
0xbd: {  	v10 =	vmov s20;
	v11 =	vmov s21;
	[sflag:s10] =	ssyncadd.s32 $0xFFFFC000  }
0xbe: {  	p4 =	seq.s32 s14, $0x1  }
.Ltmp10:
0xbf: {  	_ = 	snop;
	(pc) =	sbr.rel @p4 .LBB2_10-.Ltmp10, $4  }
0xc0: {  	_ = 	snop  }
0xc1: {  	s23 =	simm.s32 $0x800  }
0xc2: {  	s22 =	simm.s32 $0xC80;
	v13 =	vld [tilespmem:s23+$0x0]  }
0xc3: {  	s21 =	simm.s32 $0x0;
	p3 =	por $0x0, $0x0;
	v12 =	vld [tilespmem:s22+$0x0];
	s23 =	sadd.s32 $0xFFFFFFFF, s14  }
0xc4: {  	_ =	sdelay $0x1  }
0xc5: {  	v14 =	vor.u32 s21, v2  }
0xc6: {  	vm2 =	vlt.s32 v14, v9;
	vm3 =	veq.s32 v13, v11  }
0xc7: {  	v13 =	vshra.s32 v12, $0xA;
	v14 =	vand.u32 $0x7F, v12;
	v12 =	vshll.u32 v12, $0x3  }
0xc8: {  	v15 =	vadd.s32 v10, v13;
	v12 =	vand.u32 $0x1C00, v12;
	v13 =	vshll.u32 v13, $0x7  }
0xc9: {  	v15 =	vshll.u32 v15, $0xA;
	v13 =	vand.u32 $0x380, v13;
	v12 =	vor.u32 v14, v12  }
0xca: {  	vm2 =	vmand vm2, vm3;
	v14 =	vand.u32 $0xFFFFE000, v15;
	v12 =	vor.u32 v13, v12  }
0xcb: {  	v12 =	vor.u32 v14, v12;
	_ =	sdelay $0x1  }
0xcc: {  	p4 =	seq.s32 s23, $0x1  }
.Ltmp11:
0xcd: {  	_ = 	snop;
	(pc) =	sbr.rel @p4 .LBB2_15-.Ltmp11, $4  }
0xce: {  	_ = 	snop  }
0xcf: {  	s22 =	simm.s32 $0x810;
	[tilespmem:v12+s9+$0x0] =	vst.idx.msk vm2, v6  }
0xd0: {  	s24 =	simm.s32 $0xC90;
	v13 =	vld [tilespmem:s22+$0x0]  }
0xd1: {  	s25 =	sadd.s32 $0xFFFFFFFF, s23;
	p3 =	por $0x1, $0x1;
	s23 =	simm.s32 $0x0;
	v12 =	vld [tilespmem:s24+$0x0]  }
.LBB2_16:
0xd2: {  	p4 =	seq.s32 s25, $0x1  }
0xd3: {  	s23 =	sadd.s32 $0x10, s23  }
0xd4: {  	v14 =	vor.u32 s23, v2  }
0xd5: {  	vm2 =	vlt.s32 v14, v9;
	vm3 =	veq.s32 v13, v11  }
0xd6: {  	v13 =	vshra.s32 v12, $0xA;
	v14 =	vand.u32 $0x7F, v12;
	v12 =	vshll.u32 v12, $0x3  }
0xd7: {  	v15 =	vadd.s32 v10, v13;
	v12 =	vand.u32 $0x1C00, v12;
	v13 =	vshll.u32 v13, $0x7  }
0xd8: {  	v15 =	vshll.u32 v15, $0xA;
	v13 =	vand.u32 $0x380, v13;
	v12 =	vor.u32 v14, v12  }
0xd9: {  	vm2 =	vmand vm2, vm3;
	v14 =	vand.u32 $0xFFFFE000, v15;
	v12 =	vor.u32 v13, v12  }
0xda: {  	v12 =	vor.u32 v14, v12;
	_ =	sdelay $0x2  }
.Ltmp12:
0xdb: {  	(pc) =	sbr.rel @!p4 .LBB2_16-.Ltmp12, $4  }
0xdc: {  	_ = 	snop  }
0xdd: {  	s22 =	sadd.s32 $0x10, s22;
	[tilespmem:v12+s9+$0x0] =	vst.idx.msk vm2, v6  }
0xde: {  	s24 =	sadd.s32 $0x10, s24;
	v13 =	vld [tilespmem:s22+$0x0]  }
0xdf: {  	s25 =	sadd.s32 $0xFFFFFFFF, s25;
	v12 =	vld [tilespmem:s24+$0x0]  }
.LBB2_17:
0xe0: {  	s22 =	sadd.s32 @p3 $0x10, s23  }
0xe1: {  	s21 =	smov.u32 @p3 s22  }
0xe2: {  	v14 =	vor.u32 s21, v2  }
0xe3: {  	vm2 =	vlt.s32 v14, v9;
	vm3 =	veq.s32 v13, v11  }
0xe4: {  	v60 =	vshra.s32 v12, $0xA;
	v61 =	vand.u32 $0x7F, v12;
	v62 =	vshll.u32 v12, $0x3  }
0xe5: {  	v15 =	vadd.s32 v10, v60;
	v12 =	vand.u32 $0x1C00, v62;
	v13 =	vshll.u32 v60, $0x7  }
0xe6: {  	v15 =	vshll.u32 v15, $0xA;
	v13 =	vand.u32 $0x380, v13;
	v12 =	vor.u32 v61, v12  }
0xe7: {  	vm2 =	vmand vm2, vm3;
	v63 =	vand.u32 $0xFFFFE000, v15;
	v12 =	vor.u32 v13, v12  }
0xe8: {  	v12 =	vor.u32 v63, v12;
	_ =	sdelay $0x4  }
0xe9: {  	[tilespmem:v12+s9+$0x0] =	vst.idx.msk vm2, v6  }
.LBB2_11:
.Ltmp13:
0xea: {  	(pc) =	sbr.rel @p2 .LBB2_22-.Ltmp13, $1  }
0xeb: {  	_ =	sdelay $0x3  }
0xec: {  	p4 =	sne.s32 s13, $0x1  }
.Ltmp14:
0xed: {  	_ = 	snop;
	(pc) =	sbr.rel @!p4 .LBB2_13-.Ltmp14, $4  }
0xee: {  	_ = 	snop  }
0xef: {  	s23 =	simm.s32 $0x1100  }
0xf0: {  	s22 =	simm.s32 $0x1580;
	v13 =	vld [tilespmem:s23+$0x0]  }
0xf1: {  	s21 =	simm.s32 $0x0;
	p3 =	por $0x0, $0x0;
	v12 =	vld [tilespmem:s22+$0x0];
	s23 =	sadd.s32 $0xFFFFFFFF, s13  }
0xf2: {  	_ =	sdelay $0x1  }
0xf3: {  	v14 =	vor.u32 s21, v2  }
0xf4: {  	vm2 =	vlt.s32 v14, v8;
	vm3 =	veq.s32 v13, v11  }
0xf5: {  	v13 =	vshra.s32 v12, $0xA;
	v14 =	vand.u32 $0x7F, v12;
	v12 =	vshll.u32 v12, $0x3  }
0xf6: {  	v15 =	vadd.s32 v10, v13;
	v12 =	vand.u32 $0x1C00, v12;
	v13 =	vshll.u32 v13, $0x7  }
0xf7: {  	v15 =	vshll.u32 v15, $0xA;
	v13 =	vand.u32 $0x380, v13;
	v12 =	vor.u32 v14, v12  }
0xf8: {  	vm2 =	vmand vm2, vm3;
	v14 =	vand.u32 $0xFFFFE000, v15;
	v12 =	vor.u32 v13, v12  }
0xf9: {  	v12 =	vor.u32 v14, v12;
	_ =	sdelay $0x1  }
0xfa: {  	p4 =	sne.s32 s23, $0x1  }
.Ltmp15:
0xfb: {  	_ = 	snop;
	(pc) =	sbr.rel @!p4 .LBB2_19-.Ltmp15, $4  }
0xfc: {  	_ = 	snop  }
0xfd: {  	s22 =	simm.s32 $0x1110;
	[tilespmem:v12+s9+$0x0] =	vst.idx.msk vm2, v6  }
0xfe: {  	s24 =	simm.s32 $0x1590;
	v13 =	vld [tilespmem:s22+$0x0]  }
0xff: {  	s25 =	sadd.s32 $0xFFFFFFFF, s23;
	p3 =	por $0x1, $0x1;
	s23 =	simm.s32 $0x0;
	v12 =	vld [tilespmem:s24+$0x0]  }
.LBB2_20:
0x100: {  	p4 =	sne.s32 s25, $0x1  }
0x101: {  	s23 =	sadd.s32 $0x10, s23  }
0x102: {  	v14 =	vor.u32 s23, v2  }
0x103: {  	vm2 =	vlt.s32 v14, v8;
	vm3 =	veq.s32 v13, v11  }
0x104: {  	v13 =	vshra.s32 v12, $0xA;
	v14 =	vand.u32 $0x7F, v12;
	v12 =	vshll.u32 v12, $0x3  }
0x105: {  	v15 =	vadd.s32 v10, v13;
	v12 =	vand.u32 $0x1C00, v12;
	v13 =	vshll.u32 v13, $0x7  }
0x106: {  	v15 =	vshll.u32 v15, $0xA;
	v13 =	vand.u32 $0x380, v13;
	v12 =	vor.u32 v14, v12  }
0x107: {  	vm2 =	vmand vm2, vm3;
	v14 =	vand.u32 $0xFFFFE000, v15;
	v12 =	vor.u32 v13, v12  }
0x108: {  	v12 =	vor.u32 v14, v12;
	_ =	sdelay $0x2  }
.Ltmp16:
0x109: {  	(pc) =	sbr.rel @p4 .LBB2_20-.Ltmp16, $4  }
0x10a: {  	_ = 	snop  }
0x10b: {  	s22 =	sadd.s32 $0x10, s22;
	[tilespmem:v12+s9+$0x0] =	vst.idx.msk vm2, v6  }
0x10c: {  	s24 =	sadd.s32 $0x10, s24;
	v13 =	vld [tilespmem:s22+$0x0]  }
0x10d: {  	s25 =	sadd.s32 $0xFFFFFFFF, s25;
	v12 =	vld [tilespmem:s24+$0x0]  }
.LBB2_21:
0x10e: {  	s22 =	sadd.s32 @p3 $0x10, s23  }
0x10f: {  	s21 =	smov.u32 @p3 s22  }
0x110: {  	v14 =	vor.u32 s21, v2  }
0x111: {  	vm2 =	vlt.s32 v14, v8;
	vm3 =	veq.s32 v13, v11  }
0x112: {  	v11 =	vshra.s32 v12, $0xA;
	v62 =	vand.u32 $0x7F, v12;
	v63 =	vshll.u32 v12, $0x3  }
0x113: {  	v10 =	vadd.s32 v10, v11;
	v12 =	vand.u32 $0x1C00, v63;
	v11 =	vshll.u32 v11, $0x7  }
0x114: {  	v10 =	vshll.u32 v10, $0xA;
	v11 =	vand.u32 $0x380, v11;
	v12 =	vor.u32 v62, v12  }
0x115: {  	vm2 =	vmand vm2, vm3;
	v10 =	vand.u32 $0xFFFFE000, v10;
	v11 =	vor.u32 v11, v12  }
0x116: {  	v10 =	vor.u32 v10, v11;
	_ =	sdelay $0x4  }
0x117: {  	[tilespmem:v10+s9+$0x0] =	vst.idx.msk vm2, v6  }
.LBB2_22:
.Ltmp17:
0x118: {  	(pc) =	sbr.rel @p1 .LBB2_25-.Ltmp17, $2  }
0x119: {  	_ =	sdelay $0x2  }
0x11a: {  	v10 =	vmov s18  }
0x11b: {  	p4 =	seq.s32 s14, $0x1  }
.Ltmp18:
0x11c: {  	_ = 	snop;
	(pc) =	sbr.rel @p4 .LBB2_24-.Ltmp18, $4  }
0x11d: {  	_ = 	snop  }
0x11e: {  	s23 =	simm.s32 $0x800  }
0x11f: {  	s22 =	simm.s32 $0xC80;
	v13 =	vld [tilespmem:s23+$0x0]  }
0x120: {  	v11 =	vmov s20;
	s21 =	simm.s32 $0x0;
	p3 =	por $0x0, $0x0;
	v12 =	vld [tilespmem:s22+$0x0];
	s23 =	sadd.s32 $0xFFFFFFFF, s14  }
0x121: {  	_ =	sdelay $0x1  }
0x122: {  	v14 =	vor.u32 s21, v2  }
0x123: {  	vm2 =	vlt.s32 v14, v9;
	vm3 =	veq.s32 v13, v10  }
0x124: {  	v13 =	vshra.s32 v12, $0xA;
	v14 =	vand.u32 $0x7F, v12;
	v12 =	vshll.u32 v12, $0x3  }
0x125: {  	v15 =	vadd.s32 v11, v13;
	v12 =	vand.u32 $0x1C00, v12;
	v13 =	vshll.u32 v13, $0x7  }
0x126: {  	v15 =	vshll.u32 v15, $0xA;
	v13 =	vand.u32 $0x380, v13;
	v12 =	vor.u32 v14, v12  }
0x127: {  	vm2 =	vmand vm2, vm3;
	v14 =	vand.u32 $0xFFFFE000, v15;
	v12 =	vor.u32 v13, v12  }
0x128: {  	v12 =	vor.u32 v14, v12;
	_ =	sdelay $0x1  }
0x129: {  	p4 =	seq.s32 s23, $0x1  }
.Ltmp19:
0x12a: {  	_ = 	snop;
	(pc) =	sbr.rel @p4 .LBB2_29-.Ltmp19, $4  }
0x12b: {  	_ = 	snop  }
0x12c: {  	s22 =	simm.s32 $0x810;
	[tilespmem:v12+s9+$0x0] =	vst.idx.add.f32.msk vm2, v7  }
0x12d: {  	s24 =	simm.s32 $0xC90;
	v13 =	vld [tilespmem:s22+$0x0]  }
0x12e: {  	s25 =	sadd.s32 $0xFFFFFFFF, s23;
	p3 =	por $0x1, $0x1;
	s23 =	simm.s32 $0x0;
	v12 =	vld [tilespmem:s24+$0x0]  }
.LBB2_30:
0x12f: {  	p4 =	seq.s32 s25, $0x1  }
0x130: {  	s23 =	sadd.s32 $0x10, s23  }
0x131: {  	v14 =	vor.u32 s23, v2  }
0x132: {  	vm2 =	vlt.s32 v14, v9;
	vm3 =	veq.s32 v13, v10  }
0x133: {  	v13 =	vshra.s32 v12, $0xA;
	v14 =	vand.u32 $0x7F, v12;
	v12 =	vshll.u32 v12, $0x3  }
0x134: {  	v15 =	vadd.s32 v11, v13;
	v12 =	vand.u32 $0x1C00, v12;
	v13 =	vshll.u32 v13, $0x7  }
0x135: {  	v15 =	vshll.u32 v15, $0xA;
	v13 =	vand.u32 $0x380, v13;
	v12 =	vor.u32 v14, v12  }
0x136: {  	vm2 =	vmand vm2, vm3;
	v14 =	vand.u32 $0xFFFFE000, v15;
	v12 =	vor.u32 v13, v12  }
0x137: {  	v12 =	vor.u32 v14, v12;
	_ =	sdelay $0x2  }
.Ltmp20:
0x138: {  	(pc) =	sbr.rel @!p4 .LBB2_30-.Ltmp20, $4  }
0x139: {  	_ = 	snop  }
0x13a: {  	s22 =	sadd.s32 $0x10, s22;
	[tilespmem:v12+s9+$0x0] =	vst.idx.add.f32.msk vm2, v7  }
0x13b: {  	s24 =	sadd.s32 $0x10, s24;
	v13 =	vld [tilespmem:s22+$0x0]  }
0x13c: {  	s25 =	sadd.s32 $0xFFFFFFFF, s25;
	v12 =	vld [tilespmem:s24+$0x0]  }
.LBB2_31:
0x13d: {  	s22 =	sadd.s32 @p3 $0x10, s23  }
0x13e: {  	s21 =	smov.u32 @p3 s22  }
0x13f: {  	v14 =	vor.u32 s21, v2  }
0x140: {  	vm2 =	vlt.s32 v14, v9;
	vm3 =	veq.s32 v13, v10  }
0x141: {  	v61 =	vshra.s32 v12, $0xA;
	v62 =	vand.u32 $0x7F, v12;
	v63 =	vshll.u32 v12, $0x3  }
0x142: {  	v11 =	vadd.s32 v11, v61;
	v12 =	vand.u32 $0x1C00, v63;
	v13 =	vshll.u32 v61, $0x7  }
0x143: {  	v11 =	vshll.u32 v11, $0xA;
	v13 =	vand.u32 $0x380, v13;
	v12 =	vor.u32 v62, v12  }
0x144: {  	vm2 =	vmand vm2, vm3;
	v11 =	vand.u32 $0xFFFFE000, v11;
	v12 =	vor.u32 v13, v12  }
0x145: {  	v11 =	vor.u32 v11, v12;
	_ =	sdelay $0x4  }
0x146: {  	[tilespmem:v11+s9+$0x0] =	vst.idx.add.f32.msk vm2, v7  }
.LBB2_25:
.Ltmp21:
0x147: {  	(pc) =	sbr.rel @p2 .LBB2_36-.Ltmp21, $1  }
0x148: {  	_ =	sdelay $0x3  }
0x149: {  	s22 =	simm.s32 $0x1100  }
0x14a: {  	s21 =	simm.s32 $0x1580;
	p4 =	sne.s32 s13, $0x1;
	v13 =	vld [tilespmem:s22+$0x0]  }
.Ltmp22:
0x14b: {  	v12 =	vld [tilespmem:s21+$0x0];
	(pc) =	sbr.rel @!p4 .LBB2_27-.Ltmp22, $2  }
0x14c: {  	_ =	sdelay $0x2  }
0x14d: {  	v11 =	vmov s20;
	s20 =	simm.s32 $0x0;
	p3 =	por $0x0, $0x0;
	s22 =	sadd.s32 $0xFFFFFFFF, s13  }
0x14e: {  	v14 =	vor.u32 s20, v2;
	vm3 =	veq.s32 v13, v10;
	v13 =	vshra.s32 v12, $0xA  }
0x14f: {  	vm2 =	vlt.s32 v14, v8;
	v14 =	vand.u32 $0x7F, v12;
	v12 =	vshll.u32 v12, $0x3  }
0x150: {  	v15 =	vadd.s32 v11, v13;
	v13 =	vshll.u32 v13, $0x7;
	v12 =	vand.u32 $0x1C00, v12  }
0x151: {  	v15 =	vshll.u32 v15, $0xA;
	v13 =	vand.u32 $0x380, v13;
	v12 =	vor.u32 v14, v12  }
0x152: {  	vm2 =	vmand vm2, vm3;
	v14 =	vand.u32 $0xFFFFE000, v15;
	v12 =	vor.u32 v13, v12  }
0x153: {  	v12 =	vor.u32 v14, v12;
	_ =	sdelay $0x4  }
0x154: {  	s21 =	simm.s32 $0x1110;
	[tilespmem:v12+s9+$0x0] =	vst.idx.add.f32.msk vm2, v7  }
0x155: {  	p4 =	sne.s32 s22, $0x1;
	s23 =	simm.s32 $0x1590;
	v13 =	vld [tilespmem:s21+$0x0]  }
.Ltmp23:
0x156: {  	v12 =	vld [tilespmem:s23+$0x0];
	(pc) =	sbr.rel @!p4 .LBB2_33-.Ltmp23, $2  }
0x157: {  	_ =	sdelay $0x2  }
0x158: {  	s24 =	sadd.s32 $0xFFFFFFFF, s22;
	p3 =	por $0x1, $0x1;
	s22 =	simm.s32 $0x0  }
.LBB2_34:
0x159: {  	p4 =	sne.s32 s24, $0x1  }
0x15a: {  	s22 =	sadd.s32 $0x10, s22  }
0x15b: {  	v14 =	vor.u32 s22, v2  }
0x15c: {  	vm3 =	veq.s32 v13, v10;
	vm2 =	vlt.s32 v14, v8  }
0x15d: {  	v13 =	vshra.s32 v12, $0xA;
	v14 =	vand.u32 $0x7F, v12;
	v12 =	vshll.u32 v12, $0x3  }
0x15e: {  	v15 =	vadd.s32 v11, v13;
	v13 =	vshll.u32 v13, $0x7;
	v12 =	vand.u32 $0x1C00, v12  }
0x15f: {  	v15 =	vshll.u32 v15, $0xA;
	v13 =	vand.u32 $0x380, v13;
	v12 =	vor.u32 v14, v12  }
0x160: {  	vm2 =	vmand vm2, vm3;
	v14 =	vand.u32 $0xFFFFE000, v15;
	v12 =	vor.u32 v13, v12  }
0x161: {  	v12 =	vor.u32 v14, v12;
	_ =	sdelay $0x2  }
.Ltmp24:
0x162: {  	(pc) =	sbr.rel @p4 .LBB2_34-.Ltmp24, $4  }
0x163: {  	_ = 	snop  }
0x164: {  	s21 =	sadd.s32 $0x10, s21;
	[tilespmem:v12+s9+$0x0] =	vst.idx.add.f32.msk vm2, v7  }
0x165: {  	s23 =	sadd.s32 $0x10, s23;
	v13 =	vld [tilespmem:s21+$0x0]  }
0x166: {  	s24 =	sadd.s32 $0xFFFFFFFF, s24;
	v12 =	vld [tilespmem:s23+$0x0]  }
.Ltmp25:
0x167: {  	_ = 	snop;
	(pc) =	sbr.rel .LBB2_35-.Ltmp25, $1  }
0x168: {  	_ =	sdelay $0x3  }
.LBB2_24:
.Ltmp26:
0x169: {  	(pc) =	sbr.rel .LBB2_31-.Ltmp26, $2  }
0x16a: {  	_ =	sdelay $0x2  }
0x16b: {  	s23 =	simm.s32 $0x0  }
.LBB2_29:
.Ltmp27:
0x16c: {  	(pc) =	sbr.rel .LBB2_31-.Ltmp27, $2  }
0x16d: {  	_ =	sdelay $0x2  }
0x16e: {  	s23 =	simm.s32 $0x0  }
.LBB2_33:
.Ltmp28:
0x16f: {  	(pc) =	sbr.rel .LBB2_35-.Ltmp28, $2  }
0x170: {  	_ =	sdelay $0x2  }
0x171: {  	s22 =	simm.s32 $0x0  }
.LBB2_10:
.Ltmp29:
0x172: {  	(pc) =	sbr.rel .LBB2_17-.Ltmp29, $2  }
0x173: {  	_ =	sdelay $0x2  }
0x174: {  	s23 =	simm.s32 $0x0  }
.LBB2_13:
.Ltmp30:
0x175: {  	(pc) =	sbr.rel .LBB2_21-.Ltmp30, $2  }
0x176: {  	_ =	sdelay $0x2  }
0x177: {  	s23 =	simm.s32 $0x0  }
.LBB2_15:
.Ltmp31:
0x178: {  	(pc) =	sbr.rel .LBB2_17-.Ltmp31, $2  }
0x179: {  	_ =	sdelay $0x2  }
0x17a: {  	s23 =	simm.s32 $0x0  }
.LBB2_19:
.Ltmp32:
0x17b: {  	(pc) =	sbr.rel .LBB2_21-.Ltmp32, $2  }
0x17c: {  	_ =	sdelay $0x2  }
0x17d: {  	s23 =	simm.s32 $0x0  }
.LBB2_37:
0x17e: {  	_ =	swait.ge [sflag:s10], $0x4000  }
0x17f: {  	[sflag:s10] =	ssyncset.done $0x0  }
0x180: {  	[sflag:s10] =	ssyncadd.s32 $0xFFFFC000  }
0x181: {  	_ =	swait.ge [sflag:s10], $0x4000  }
0x182: {  	[sflag:s10] =	ssyncset.done $0x0  }
0x183: {  	[sflag:s10] =	ssyncadd.s32 $0xFFFFC000  }
0x184: {  	_ =	swait.ge [sflag:s10], $0x4000  }
0x185: {  	[sflag:s10] =	ssyncset.done $0x0  }
0x186: {  	[sflag:s10] =	ssyncadd.s32 $0xFFFFC000  }
0x187: {  	_ =	swait.ge [sflag:s10], $0x4000  }
0x188: {  	[sflag:s10] =	ssyncset.done $0x0  }
0x189: {  	[sflag:s10] =	ssyncadd.s32 $0xFFFFC000  }
0x18a: {  	_ =	swait.ge [sflag:s10], $0x4000  }
.Ltmp33:
0x18b: {  	[sflag:s10] =	ssyncset.done $0x0;
	(pc) =	sbr.rel @p0 .LBB2_67-.Ltmp33, $4  }
0x18c: {  	[sflag:s10] =	ssyncadd.s32 $0xFFFFC000  }
0x18d: {  	_ =	swait.ge [sflag:s10], $0x4000  }
0x18e: {  	[sflag:s10] =	ssyncset.done $0x0  }
0x18f: {  	[sflag:s10] =	ssyncadd.s32 $0xFFFFC000  }
0x190: {  	p1 =	sgt.s32 s14, $0x0  }
.Ltmp34:
0x191: {  	_ = 	snop;
	(pc) =	sbr.rel @!p1 .LBB2_41-.Ltmp34, $1  }
0x192: {  	_ =	sdelay $0x3  }
0x193: {  	p3 =	seq.s32 s14, $0x1  }
.Ltmp35:
0x194: {  	_ = 	snop;
	(pc) =	sbr.rel @p3 .LBB2_40-.Ltmp35, $3  }
0x195: {  	_ =	sdelay $0x1  }
0x196: {  	s16 =	simm.s32 $0x800;
	s17 =	simm.s32 $0xC80  }
0x197: {  	s15 =	simm.s32 $0x0;
	p2 =	por $0x0, $0x0;
	v10 =	vld [tilespmem:s17+$0x0];
	s17 =	sadd.s32 $0xFFFFFFFF, s14  }
0x198: {  	_ =	sdelay $0x1  }
0x199: {  	v11 =	vld [tilespmem:s16+$0x0];
	_ =	sdelay $0x1  }
0x19a: {  	v12 =	vor.u32 s15, v2;
	v13 =	vshll.u32 v10, $0x3  }
0x19b: {  	v14 =	vand.u32 $0xFFFFE000, v10;
	v15 =	vshrl.u32 v10, $0x3;
	v13 =	vand.u32 $0x1C00, v13  }
0x19c: {  	vm2 =	vlt.s32 v12, v9;
	v63 =	vand.u32 $0x380, v15;
	v62 =	vor.u32 v13, v14  }
0x19d: {  	v10 =	vand.u32 $0x7F, v10;
	vm3 =	veq.s32 v11, v1;
	v11 =	vor.u32 v63, v62  }
0x19e: {  	vm2 =	vmand vm2, vm3;
	v10 =	vor.u32 v10, v11  }
0x19f: {  	v10 =	vadd.s32 $0xC000, v10  }
0x1a0: {  	p3 =	seq.s32 s17, $0x1  }
.Ltmp36:
0x1a1: {  	_ = 	snop;
	(pc) =	sbr.rel @p3 .LBB2_45-.Ltmp36, $3  }
0x1a2: {  	_ =	sdelay $0x1  }
0x1a3: {  	s19 =	simm.s32 $0xC90;
	s20 =	sadd.s32 $0xFFFFFFFF, s17;
	[tilespmem:v10+s9+$0x0] =	vst.idx.msk vm2, v6  }
0x1a4: {  	p2 =	por $0x1, $0x1;
	s17 =	simm.s32 $0x800;
	s18 =	simm.s32 $0x0;
	v10 =	vld [tilespmem:s19+$0x0]  }
.LBB2_46:
0x1a5: {  	p3 =	seq.s32 s20, $0x1  }
0x1a6: {  	s17 =	sadd.s32 $0x10, s17  }
0x1a7: {  	v11 =	vld [tilespmem:s17+$0x0]  }
0x1a8: {  	s18 =	sadd.s32 $0x10, s18  }
0x1a9: {  	v12 =	vor.u32 s18, v2;
	v13 =	vshll.u32 v10, $0x3  }
0x1aa: {  	v14 =	vand.u32 $0xFFFFE000, v10;
	v15 =	vshrl.u32 v10, $0x3;
	v13 =	vand.u32 $0x1C00, v13  }
0x1ab: {  	vm2 =	vlt.s32 v12, v9;
	v12 =	vor.u32 v13, v14;
	v13 =	vand.u32 $0x380, v15  }
0x1ac: {  	v10 =	vand.u32 $0x7F, v10;
	vm3 =	veq.s32 v11, v1;
	v11 =	vor.u32 v13, v12  }
0x1ad: {  	vm2 =	vmand vm2, vm3;
	v10 =	vor.u32 v10, v11  }
0x1ae: {  	v10 =	vadd.s32 $0xC000, v10;
	_ =	sdelay $0x1  }
.Ltmp37:
0x1af: {  	(pc) =	sbr.rel @!p3 .LBB2_46-.Ltmp37, $3  }
0x1b0: {  	_ =	sdelay $0x1  }
0x1b1: {  	s19 =	sadd.s32 $0x10, s19;
	[tilespmem:v10+s9+$0x0] =	vst.idx.msk vm2, v6  }
0x1b2: {  	s20 =	sadd.s32 $0xFFFFFFFF, s20;
	v10 =	vld [tilespmem:s19+$0x0]  }
.LBB2_47:
0x1b3: {  	s17 =	sadd.s32 @p2 $0x10, s17  }
0x1b4: {  	s16 =	smov.u32 @p2 s17  }
0x1b5: {  	v11 =	vld [tilespmem:s16+$0x0];
	s16 =	sadd.s32 @p2 $0x10, s18  }
0x1b6: {  	s15 =	smov.u32 @p2 s16  }
0x1b7: {  	v12 =	vor.u32 s15, v2;
	v13 =	vshll.u32 v10, $0x3  }
0x1b8: {  	v14 =	vand.u32 $0xFFFFE000, v10;
	v15 =	vshrl.u32 v10, $0x3;
	v13 =	vand.u32 $0x1C00, v13  }
0x1b9: {  	v10 =	vand.u32 $0x7F, v10;
	v63 =	vand.u32 $0x380, v15;
	v62 =	vor.u32 v13, v14  }
0x1ba: {  	vm2 =	vlt.s32 v12, v9;
	vm3 =	veq.s32 v11, v1;
	v11 =	vor.u32 v63, v62  }
0x1bb: {  	vm2 =	vmand vm2, vm3;
	v10 =	vor.u32 v10, v11  }
0x1bc: {  	v10 =	vadd.s32 $0xC000, v10;
	_ =	sdelay $0x4  }
0x1bd: {  	[tilespmem:v10+s9+$0x0] =	vst.idx.msk vm2, v6  }
.LBB2_41:
0x1be: {  	p2 =	sgt.s32 s13, $0x0  }
.Ltmp38:
0x1bf: {  	_ = 	snop;
	(pc) =	sbr.rel @!p2 .LBB2_48-.Ltmp38, $1  }
0x1c0: {  	_ =	sdelay $0x3  }
0x1c1: {  	p4 =	seq.s32 s13, $0x1  }
.Ltmp39:
0x1c2: {  	_ = 	snop;
	(pc) =	sbr.rel @p4 .LBB2_43-.Ltmp39, $3  }
0x1c3: {  	_ =	sdelay $0x1  }
0x1c4: {  	s16 =	simm.s32 $0x1100;
	s17 =	simm.s32 $0x1580  }
0x1c5: {  	s15 =	simm.s32 $0x0;
	p3 =	por $0x0, $0x0;
	v10 =	vld [tilespmem:s17+$0x0];
	s17 =	sadd.s32 $0xFFFFFFFF, s13  }
0x1c6: {  	_ =	sdelay $0x1  }
0x1c7: {  	v11 =	vld [tilespmem:s16+$0x0];
	_ =	sdelay $0x1  }
0x1c8: {  	v12 =	vor.u32 s15, v2;
	v13 =	vshll.u32 v10, $0x3  }
0x1c9: {  	v14 =	vand.u32 $0xFFFFE000, v10;
	v15 =	vshrl.u32 v10, $0x3;
	v13 =	vand.u32 $0x1C00, v13  }
0x1ca: {  	vm2 =	vlt.s32 v12, v8;
	v63 =	vand.u32 $0x380, v15;
	v62 =	vor.u32 v13, v14  }
0x1cb: {  	v10 =	vand.u32 $0x7F, v10;
	vm3 =	veq.s32 v11, v1;
	v11 =	vor.u32 v63, v62  }
0x1cc: {  	vm2 =	vmand vm2, vm3;
	v10 =	vor.u32 v10, v11  }
0x1cd: {  	v10 =	vadd.s32 $0xC000, v10  }
0x1ce: {  	p4 =	seq.s32 s17, $0x1  }
.Ltmp40:
0x1cf: {  	_ = 	snop;
	(pc) =	sbr.rel @p4 .LBB2_52-.Ltmp40, $3  }
0x1d0: {  	_ =	sdelay $0x1  }
0x1d1: {  	s19 =	simm.s32 $0x1590;
	s20 =	sadd.s32 $0xFFFFFFFF, s17;
	[tilespmem:v10+s9+$0x0] =	vst.idx.msk vm2, v6  }
0x1d2: {  	p3 =	por $0x1, $0x1;
	s17 =	simm.s32 $0x1100;
	s18 =	simm.s32 $0x0;
	v10 =	vld [tilespmem:s19+$0x0]  }
.LBB2_53:
0x1d3: {  	p4 =	seq.s32 s20, $0x1  }
0x1d4: {  	s17 =	sadd.s32 $0x10, s17  }
0x1d5: {  	v11 =	vld [tilespmem:s17+$0x0]  }
0x1d6: {  	s18 =	sadd.s32 $0x10, s18  }
0x1d7: {  	v12 =	vor.u32 s18, v2;
	v13 =	vshll.u32 v10, $0x3  }
0x1d8: {  	v14 =	vand.u32 $0xFFFFE000, v10;
	v15 =	vshrl.u32 v10, $0x3;
	v13 =	vand.u32 $0x1C00, v13  }
0x1d9: {  	vm2 =	vlt.s32 v12, v8;
	v12 =	vor.u32 v13, v14;
	v13 =	vand.u32 $0x380, v15  }
0x1da: {  	v10 =	vand.u32 $0x7F, v10;
	vm3 =	veq.s32 v11, v1;
	v11 =	vor.u32 v13, v12  }
0x1db: {  	vm2 =	vmand vm2, vm3;
	v10 =	vor.u32 v10, v11  }
0x1dc: {  	v10 =	vadd.s32 $0xC000, v10;
	_ =	sdelay $0x1  }
.Ltmp41:
0x1dd: {  	(pc) =	sbr.rel @!p4 .LBB2_53-.Ltmp41, $3  }
0x1de: {  	_ =	sdelay $0x1  }
0x1df: {  	s19 =	sadd.s32 $0x10, s19;
	[tilespmem:v10+s9+$0x0] =	vst.idx.msk vm2, v6  }
0x1e0: {  	s20 =	sadd.s32 $0xFFFFFFFF, s20;
	v10 =	vld [tilespmem:s19+$0x0]  }
.LBB2_54:
0x1e1: {  	s17 =	sadd.s32 @p3 $0x10, s17  }
0x1e2: {  	s16 =	smov.u32 @p3 s17  }
0x1e3: {  	v11 =	vld [tilespmem:s16+$0x0];
	s16 =	sadd.s32 @p3 $0x10, s18  }
0x1e4: {  	s15 =	smov.u32 @p3 s16  }
0x1e5: {  	v12 =	vor.u32 s15, v2;
	v13 =	vshll.u32 v10, $0x3  }
0x1e6: {  	v14 =	vand.u32 $0xFFFFE000, v10;
	v15 =	vshrl.u32 v10, $0x3;
	v13 =	vand.u32 $0x1C00, v13  }
0x1e7: {  	v10 =	vand.u32 $0x7F, v10;
	v63 =	vand.u32 $0x380, v15;
	v62 =	vor.u32 v13, v14  }
0x1e8: {  	vm2 =	vlt.s32 v12, v8;
	vm3 =	veq.s32 v11, v1;
	v11 =	vor.u32 v63, v62  }
0x1e9: {  	vm2 =	vmand vm2, vm3;
	v10 =	vor.u32 v10, v11  }
0x1ea: {  	v10 =	vadd.s32 $0xC000, v10;
	_ =	sdelay $0x4  }
0x1eb: {  	[tilespmem:v10+s9+$0x0] =	vst.idx.msk vm2, v6  }
.LBB2_48:
.Ltmp42:
0x1ec: {  	(pc) =	sbr.rel @!p1 .LBB2_55-.Ltmp42, $1  }
0x1ed: {  	_ =	sdelay $0x3  }
0x1ee: {  	p3 =	seq.s32 s14, $0x1  }
.Ltmp43:
0x1ef: {  	_ = 	snop;
	(pc) =	sbr.rel @p3 .LBB2_50-.Ltmp43, $3  }
0x1f0: {  	_ =	sdelay $0x1  }
0x1f1: {  	s16 =	simm.s32 $0x800;
	s17 =	simm.s32 $0xC80  }
0x1f2: {  	s15 =	simm.s32 $0x0;
	s14 =	sadd.s32 $0xFFFFFFFF, s14;
	p1 =	por $0x0, $0x0;
	v10 =	vld [tilespmem:s17+$0x0]  }
0x1f3: {  	_ =	sdelay $0x1  }
0x1f4: {  	v11 =	vld [tilespmem:s16+$0x0];
	_ =	sdelay $0x1  }
0x1f5: {  	v12 =	vor.u32 s15, v2;
	v13 =	vshll.u32 v10, $0x3  }
0x1f6: {  	v14 =	vand.u32 $0xFFFFE000, v10;
	v15 =	vshrl.u32 v10, $0x3;
	v13 =	vand.u32 $0x1C00, v13  }
0x1f7: {  	vm2 =	vlt.s32 v12, v9;
	v63 =	vand.u32 $0x380, v15;
	v62 =	vor.u32 v13, v14  }
0x1f8: {  	v10 =	vand.u32 $0x7F, v10;
	vm3 =	veq.s32 v11, v3;
	v11 =	vor.u32 v63, v62  }
0x1f9: {  	vm2 =	vmand vm2, vm3;
	v10 =	vor.u32 v10, v11  }
0x1fa: {  	v10 =	vadd.s32 $0xC000, v10  }
0x1fb: {  	p3 =	seq.s32 s14, $0x1  }
.Ltmp44:
0x1fc: {  	_ = 	snop;
	(pc) =	sbr.rel @p3 .LBB2_59-.Ltmp44, $3  }
0x1fd: {  	_ =	sdelay $0x1  }
0x1fe: {  	s18 =	simm.s32 $0xC90;
	s19 =	sadd.s32 $0xFFFFFFFF, s14;
	[tilespmem:v10+s9+$0x0] =	vst.idx.add.f32.msk vm2, v7  }
0x1ff: {  	p1 =	por $0x1, $0x1;
	s14 =	simm.s32 $0x800;
	s17 =	simm.s32 $0x0;
	v10 =	vld [tilespmem:s18+$0x0]  }
.LBB2_60:
0x200: {  	p3 =	seq.s32 s19, $0x1  }
0x201: {  	s14 =	sadd.s32 $0x10, s14  }
0x202: {  	v11 =	vld [tilespmem:s14+$0x0]  }
0x203: {  	s17 =	sadd.s32 $0x10, s17  }
0x204: {  	v12 =	vor.u32 s17, v2;
	v13 =	vshll.u32 v10, $0x3  }
0x205: {  	v14 =	vand.u32 $0xFFFFE000, v10;
	v15 =	vshrl.u32 v10, $0x3;
	v13 =	vand.u32 $0x1C00, v13  }
0x206: {  	vm2 =	vlt.s32 v12, v9;
	v12 =	vor.u32 v13, v14;
	v13 =	vand.u32 $0x380, v15  }
0x207: {  	v10 =	vand.u32 $0x7F, v10;
	vm3 =	veq.s32 v11, v3;
	v11 =	vor.u32 v13, v12  }
0x208: {  	vm2 =	vmand vm2, vm3;
	v10 =	vor.u32 v10, v11  }
0x209: {  	v10 =	vadd.s32 $0xC000, v10;
	_ =	sdelay $0x1  }
.Ltmp45:
0x20a: {  	(pc) =	sbr.rel @!p3 .LBB2_60-.Ltmp45, $3  }
0x20b: {  	_ =	sdelay $0x1  }
0x20c: {  	s18 =	sadd.s32 $0x10, s18;
	[tilespmem:v10+s9+$0x0] =	vst.idx.add.f32.msk vm2, v7  }
0x20d: {  	s19 =	sadd.s32 $0xFFFFFFFF, s19;
	v10 =	vld [tilespmem:s18+$0x0]  }
.LBB2_61:
0x20e: {  	s14 =	sadd.s32 @p1 $0x10, s14  }
0x20f: {  	s16 =	smov.u32 @p1 s14  }
0x210: {  	s14 =	sadd.s32 @p1 $0x10, s17;
	v11 =	vld [tilespmem:s16+$0x0]  }
0x211: {  	s15 =	smov.u32 @p1 s14  }
0x212: {  	v12 =	vor.u32 s15, v2;
	v13 =	vshll.u32 v10, $0x3  }
0x213: {  	v14 =	vand.u32 $0xFFFFE000, v10;
	v15 =	vshrl.u32 v10, $0x3;
	v13 =	vand.u32 $0x1C00, v13  }
0x214: {  	vm2 =	vlt.s32 v12, v9;
	v63 =	vand.u32 $0x380, v15;
	v9 =	vor.u32 v13, v14  }
0x215: {  	v10 =	vand.u32 $0x7F, v10;
	vm3 =	veq.s32 v11, v3;
	v9 =	vor.u32 v63, v9  }
0x216: {  	vm2 =	vmand vm2, vm3;
	v9 =	vor.u32 v10, v9  }
0x217: {  	v9 =	vadd.s32 $0xC000, v9;
	_ =	sdelay $0x4  }
0x218: {  	[tilespmem:v9+s9+$0x0] =	vst.idx.add.f32.msk vm2, v7  }
.LBB2_55:
.Ltmp46:
0x219: {  	(pc) =	sbr.rel @!p2 .LBB2_66-.Ltmp46, $1  }
0x21a: {  	_ =	sdelay $0x3  }
0x21b: {  	p2 =	sne.s32 s13, $0x1  }
.Ltmp47:
0x21c: {  	_ = 	snop;
	(pc) =	sbr.rel @!p2 .LBB2_57-.Ltmp47, $3  }
0x21d: {  	_ =	sdelay $0x1  }
0x21e: {  	s15 =	simm.s32 $0x1100;
	s16 =	simm.s32 $0x1580  }
0x21f: {  	s14 =	simm.s32 $0x0;
	s13 =	sadd.s32 $0xFFFFFFFF, s13;
	p1 =	por $0x0, $0x0;
	v9 =	vld [tilespmem:s16+$0x0]  }
0x220: {  	_ =	sdelay $0x1  }
0x221: {  	v10 =	vld [tilespmem:s15+$0x0];
	_ =	sdelay $0x1  }
0x222: {  	v11 =	vor.u32 s14, v2;
	v12 =	vshll.u32 v9, $0x3  }
0x223: {  	v13 =	vand.u32 $0xFFFFE000, v9;
	v14 =	vshrl.u32 v9, $0x3;
	v12 =	vand.u32 $0x1C00, v12  }
0x224: {  	vm2 =	vlt.s32 v11, v8;
	v63 =	vand.u32 $0x380, v14;
	v11 =	vor.u32 v12, v13  }
0x225: {  	v9 =	vand.u32 $0x7F, v9;
	vm3 =	veq.s32 v10, v3;
	v10 =	vor.u32 v63, v11  }
0x226: {  	vm2 =	vmand vm2, vm3;
	v9 =	vor.u32 v9, v10  }
0x227: {  	v9 =	vadd.s32 $0xC000, v9  }
0x228: {  	p2 =	sne.s32 s13, $0x1  }
.Ltmp48:
0x229: {  	_ = 	snop;
	(pc) =	sbr.rel @!p2 .LBB2_63-.Ltmp48, $3  }
0x22a: {  	_ =	sdelay $0x1  }
0x22b: {  	s17 =	simm.s32 $0x1590;
	s18 =	sadd.s32 $0xFFFFFFFF, s13;
	[tilespmem:v9+s9+$0x0] =	vst.idx.add.f32.msk vm2, v7  }
0x22c: {  	p1 =	por $0x1, $0x1;
	s13 =	simm.s32 $0x1100;
	s16 =	simm.s32 $0x0;
	v9 =	vld [tilespmem:s17+$0x0]  }
.LBB2_64:
0x22d: {  	p2 =	sne.s32 s18, $0x1  }
0x22e: {  	s13 =	sadd.s32 $0x10, s13  }
0x22f: {  	v10 =	vld [tilespmem:s13+$0x0]  }
0x230: {  	s16 =	sadd.s32 $0x10, s16  }
0x231: {  	v12 =	vshll.u32 v9, $0x3;
	v11 =	vor.u32 s16, v2  }
0x232: {  	v13 =	vand.u32 $0xFFFFE000, v9;
	v14 =	vshrl.u32 v9, $0x3;
	v12 =	vand.u32 $0x1C00, v12  }
0x233: {  	vm2 =	vlt.s32 v11, v8;
	v11 =	vor.u32 v12, v13;
	v12 =	vand.u32 $0x380, v14  }
0x234: {  	v9 =	vand.u32 $0x7F, v9;
	vm3 =	veq.s32 v10, v3;
	v10 =	vor.u32 v12, v11  }
0x235: {  	vm2 =	vmand vm2, vm3;
	v9 =	vor.u32 v9, v10  }
0x236: {  	v9 =	vadd.s32 $0xC000, v9;
	_ =	sdelay $0x1  }
.Ltmp49:
0x237: {  	(pc) =	sbr.rel @p2 .LBB2_64-.Ltmp49, $3  }
0x238: {  	_ =	sdelay $0x1  }
0x239: {  	s17 =	sadd.s32 $0x10, s17;
	[tilespmem:v9+s9+$0x0] =	vst.idx.add.f32.msk vm2, v7  }
0x23a: {  	s18 =	sadd.s32 $0xFFFFFFFF, s18;
	v9 =	vld [tilespmem:s17+$0x0]  }
.Ltmp50:
0x23b: {  	_ = 	snop;
	(pc) =	sbr.rel .LBB2_65-.Ltmp50, $1  }
0x23c: {  	_ =	sdelay $0x3  }
.LBB2_40:
.Ltmp51:
0x23d: {  	(pc) =	sbr.rel .LBB2_47-.Ltmp51, $2  }
0x23e: {  	_ =	sdelay $0x2  }
0x23f: {  	s17 =	simm.s32 $0x800;
	s18 =	simm.s32 $0x0  }
.LBB2_43:
.Ltmp52:
0x240: {  	(pc) =	sbr.rel .LBB2_54-.Ltmp52, $2  }
0x241: {  	_ =	sdelay $0x2  }
0x242: {  	s17 =	simm.s32 $0x1100;
	s18 =	simm.s32 $0x0  }
.LBB2_50:
.Ltmp53:
0x243: {  	(pc) =	sbr.rel .LBB2_61-.Ltmp53, $2  }
0x244: {  	_ =	sdelay $0x2  }
0x245: {  	s14 =	simm.s32 $0x800;
	s17 =	simm.s32 $0x0  }
.LBB2_45:
.Ltmp54:
0x246: {  	(pc) =	sbr.rel .LBB2_47-.Ltmp54, $2  }
0x247: {  	_ =	sdelay $0x2  }
0x248: {  	s17 =	simm.s32 $0x800;
	s18 =	simm.s32 $0x0  }
.LBB2_52:
.Ltmp55:
0x249: {  	(pc) =	sbr.rel .LBB2_54-.Ltmp55, $2  }
0x24a: {  	_ =	sdelay $0x2  }
0x24b: {  	s17 =	simm.s32 $0x1100;
	s18 =	simm.s32 $0x0  }
.LBB2_59:
.Ltmp56:
0x24c: {  	(pc) =	sbr.rel .LBB2_61-.Ltmp56, $2  }
0x24d: {  	_ =	sdelay $0x2  }
0x24e: {  	s14 =	simm.s32 $0x800;
	s17 =	simm.s32 $0x0  }
.LBB2_63:
.Ltmp57:
0x24f: {  	(pc) =	sbr.rel .LBB2_65-.Ltmp57, $2  }
0x250: {  	_ =	sdelay $0x2  }
0x251: {  	s13 =	simm.s32 $0x1100;
	s16 =	simm.s32 $0x0  }
.LBB2_68:
0x252: {  	_ =	sfence.sel $0x180000  }
0x253: {  	[bflag:$0x0] =	sbarrier.arrive $0xFFFF  }
0x254: {  	p0 =	sne.s32 s2, $0x0;
	_ =	strace $0x90000047  }
0x255: {  	s0 =	sadd.s32 @!p0 $0x100000, s3;
	[bflag:$0x2] =	sbarrier.arrive $0xFFFF  }
0x256: {  	[sflag:s0] =	ssyncadd.tile.s32 @!p0 $0x1;
	_ =	shalt  }
.Lfunc_end2:
_tile_overlayer_lowered:
.L_overlay_start_2:
0x257: {  	(tag) =	ssettag $0x2  }
0x258: {  	s0 =	rddreg [dreg:$0x0];
	s2 =	stileid.u32  }
0x259: {  	s1 =	rddreg [dreg:$0x1];
	p0 =	sne.s32 s2, $0x0  }
0x25a: {  	s3 =	rddreg [dreg:$0x2];
	[bflag:$0x3] =	sbarrier.arrive $0xFFFF;
	s2 =	simm.s32 @!p0 $0x1C02  }
0x25b: {  	[timem:s3], [sflag:s2] =	dma.local @!p0 [hbm:s0], s1  }
0x25c: {  	s0 =	simm.s32 @!p0 $0x2  }
0x25d: {  	_ =	swait.ge @!p0 [sflag:s0], s1  }
0x25e: {  	s1 =	ssub.s32 @!p0 $0x0, s1;
	[sflag:s0] =	ssyncset.done @!p0 $0x0  }
0x25f: {  	[sflag:s0] =	ssyncadd.s32 @!p0 s1  }
0x260: {  	[bflag:$0x3] =	sbarrier.arrive $0xFFFF  }
0x261: {  	_ =	shalt  }

</sc_bundles>
